<compile_context>
chip_gen: v7x
topology: tpu7x:2x2x1
jax: 0.10.2.dev20260603
libtpu: 0.0.44.dev20260713+nightly
codegen_flags: <defaults>
</compile_context>

<pallas_src>
import functools

import jax
import jax.numpy as jnp
from jax import lax
from jax.experimental import pallas as pl
from jax.experimental.pallas import tpu as pltpu
from jax.experimental.pallas import tpu_sc as plsc

_VOCAB = 100000
_DIM = 128
_BATCH = 4096
_SEQ = 200
_NCLS = 2

_TC_BLK = 25088
_TC_GRID = -(-_VOCAB // _TC_BLK)
_VOCAB_PAD = _TC_GRID * _TC_BLK


def _tc_project_body(t_ref, w_ref, b_ref, o_ref):
    res = (
        lax.dot_general(
            w_ref[...],
            t_ref[...],
            (((0,), (1,)), ((), ())),
            preferred_element_type=jnp.float32,
        )
        + b_ref[...]
    )
    halves = lax.bitcast_convert_type(
        res.astype(jnp.bfloat16), jnp.uint16
    ).astype(jnp.uint32)
    packed = (halves[1:2, :] << 16) | halves[0:1, :]
    o_ref[...] = lax.bitcast_convert_type(packed, jnp.int32)


def _tc_project(table, W, b):
    return pl.pallas_call(
        _tc_project_body,
        grid=(_TC_GRID,),
        in_specs=[
            pl.BlockSpec((_TC_BLK, _DIM), lambda i: (i, 0)),
            pl.BlockSpec((_DIM, _NCLS), lambda i: (0, 0)),
            pl.BlockSpec((_NCLS, 1), lambda i: (0, 0)),
        ],
        out_specs=pl.BlockSpec((1, _TC_BLK), lambda i: (0, i)),
        out_shape=jax.ShapeDtypeStruct((1, _VOCAB_PAD), jnp.int32),
    )(table, W, b.reshape(_NCLS, 1))


_VOCAB_STAGE = 100096
_N_TILES = 32
_ROWS_PER_TILE = _BATCH // _N_TILES
_N_GROUPS = _ROWS_PER_TILE // 16
_CHUNK_T = 50
_N_CHUNKS = _SEQ // _CHUNK_T


@functools.partial(
    pl.kernel,
    out_type=jax.ShapeDtypeStruct((_NCLS, _BATCH), jnp.float32),
    mesh=plsc.VectorSubcoreMesh(core_axis_name="c", subcore_axis_name="s"),
    compiler_params=pltpu.CompilerParams(needs_layout_passes=False),
    scratch_types=[
        pltpu.VMEM((_VOCAB_STAGE,), jnp.int32),
        pltpu.VMEM_SHARED((_VOCAB_STAGE,), jnp.int32),
        pltpu.VMEM((_CHUNK_T * _ROWS_PER_TILE,), jnp.int32),
        pltpu.VMEM((_CHUNK_T * _ROWS_PER_TILE,), jnp.int32),
        pltpu.VMEM((_ROWS_PER_TILE,), jnp.float32),
        pltpu.VMEM((_ROWS_PER_TILE,), jnp.float32),
        pltpu.SemaphoreType.DMA,
        pltpu.SemaphoreType.DMA,
        pltpu.SemaphoreType.DMA,
    ],
)
def _sc_pool(
    pt_hbm, texts_hbm, out_hbm, pcol, spcol, tka, tkb, ob0, ob1, semp, sema, semb
):
    sub = lax.axis_index("s")
    wid = sub * 2 + lax.axis_index("c")
    r0 = wid * _ROWS_PER_TILE

    bufs = (tka, tkb)
    sems = (sema, semb)
    csz = _CHUNK_T * _ROWS_PER_TILE

    def chunk_src(ct):
        return texts_hbm.at[wid, pl.ds(ct * csz, csz)]

    pending = [None] * _N_CHUNKS
    pending[0] = pltpu.async_copy(chunk_src(0), bufs[0], sems[0])

    @pl.when(sub == 0)
    def _():
        pltpu.sync_copy(pt_hbm.at[0, pl.ds(0, _VOCAB_STAGE)], spcol)

    plsc.subcore_barrier()
    pltpu.async_copy(spcol, pcol, semp).wait()

    inv_l = jnp.float32(1.0 / _SEQ)
    zero = jnp.zeros((16,), jnp.float32)
    himask = jnp.full((16,), -65536, jnp.int32)

    accs = (zero,) * (2 * _N_GROUPS)
    for ct in range(_N_CHUNKS):
        if ct + 1 < _N_CHUNKS:
            pending[ct + 1] = pltpu.async_copy(
                chunk_src(ct + 1), bufs[(ct + 1) % 2], sems[(ct + 1) % 2]
            )
        pending[ct].wait()
        tbuf = bufs[ct % 2]

        def body(t, accs):
            out = []
            for g in range(_N_GROUPS):
                tok = tbuf[pl.ds(t * _ROWS_PER_TILE + g * 16, 16)]
                val = plsc.load_gather(pcol, [tok])
                c0 = plsc.bitcast(val << 16, jnp.float32)
                c1 = plsc.bitcast(val & himask, jnp.float32)
                out.append(accs[2 * g] + c0)
                out.append(accs[2 * g + 1] + c1)
            return tuple(out)

        accs = lax.fori_loop(0, _CHUNK_T, body, accs, unroll=2)

    for g in range(_N_GROUPS):
        ob0[pl.ds(g * 16, 16)] = accs[2 * g] * inv_l
        ob1[pl.ds(g * 16, 16)] = accs[2 * g + 1] * inv_l

    pltpu.sync_copy(ob0, out_hbm.at[0, pl.ds(r0, _ROWS_PER_TILE)])
    pltpu.sync_copy(ob1, out_hbm.at[1, pl.ds(r0, _ROWS_PER_TILE)])


def kernel(texts, table, W, b):
    texts_t = (
        texts.astype(jnp.int32)
        .T.reshape(_SEQ, _N_TILES, _ROWS_PER_TILE)
        .transpose(1, 0, 2)
        .reshape(_N_TILES, _SEQ * _ROWS_PER_TILE)
    )
    pt = _tc_project(table, W, b)
    out_t = _sc_pool(pt, texts_t)
    return out_t.T

# --- scband reference (transcript-rebuilt; emitter-appended) ---
"""Pipeline reference for scband-fast-text-47253230191111 (READ-ONLY COPY).

The authoritative reference and input builder live on the scoring server;
editing this copy changes nothing except your own understanding.
"""

import jax, jax.numpy as jnp
import numpy as np

VOCAB = 100000
DIM = 128
BATCH = 4096
SEQ = 200
N_CLASSES = 2

def setup_inputs(seed: int = 0) -> dict:
    key = jax.random.key(seed)
    k1, k2, k3, k4 = jax.random.split(key, 4)
    texts = jax.random.randint(k1, (BATCH, SEQ), 0, VOCAB)
    table = jax.random.normal(k2, (VOCAB, DIM), dtype=jnp.float32) * 0.1
    W = jax.random.normal(k3, (DIM, N_CLASSES), dtype=jnp.float32) * (1.0 / np.sqrt(DIM))
    b = jnp.zeros((N_CLASSES,), dtype=jnp.float32)
    return {"texts": texts, "table": table, "W": W, "b": b}

def reference(texts, table, W, b):
    # Embedding lookup (frozen GloVe-style table): gather rows
    sequence = jnp.take(table, texts, axis=0)  # [B, L, D]
    # FastText: mean-pool over the sequence dimension
    feature = sequence.mean(axis=1)  # [B, D]
    # Linear classifier
    logits = feature @ W + b  # [B, 2]
    return logits

if __name__ == "__main__":
    import jax
    _d = setup_inputs()
    print(jax.jit(kernel)(*tuple(_d.values())))

</pallas_src>

<mosaic_0001>
#map = affine_map<(d0, d1) -> (0, 0)>
module attributes {stable_mosaic.version = 14 : i64} {
  func.func @_sc_pool(%arg0: i32, %arg1: i32, %arg2: memref<1x100352xi32, #tpu.memory_space<hbm>>, %arg3: memref<32x25600xi32, #tpu.memory_space<hbm>>, %arg4: memref<2x4096xf32, #tpu.memory_space<hbm>>, %arg5: memref<100096xi32, #tpu.memory_space<vmem>>, %arg6: memref<100096xi32, #tpu.memory_space<vmem_shared>>, %arg7: memref<6400xi32, #tpu.memory_space<vmem>>, %arg8: memref<6400xi32, #tpu.memory_space<vmem>>, %arg9: memref<128xf32, #tpu.memory_space<vmem>>, %arg10: memref<128xf32, #tpu.memory_space<vmem>>, %arg11: memref<!tpu.dma_semaphore, #tpu.memory_space<semaphore_mem>>, %arg12: memref<!tpu.dma_semaphore, #tpu.memory_space<semaphore_mem>>, %arg13: memref<!tpu.dma_semaphore, #tpu.memory_space<semaphore_mem>>) attributes {dimension_semantics = [#tpu.dimension_semantics<core_parallel>, #tpu.dimension_semantics<subcore_parallel>], iteration_bounds = array<i64: 2, 16>, scalar_prefetch = 0 : i64, scratch_operands = 9 : i64, tpu.core_type = #tpu.core_type<sc_vector_subcore>, window_params = [{transform_indices = #map}, {transform_indices = #map}, {transform_indices = #map}]} {
    %mul3A = arith.constant 2 : i32
    %mul3A_0 = arith.muli %arg1, %mul3A : i32
    %add3A = arith.addi %mul3A_0, %arg0 : i32
    %mul3A_1 = arith.constant 128 : i32
    %mul3A_2 = arith.muli %add3A, %mul3A_1 : i32
    %dma_start3A = arith.constant 0 : i32
    %dma_start3A_3 = tpu.memref_slice %arg3[%add3A, %dma_start3A] : memref<32x25600xi32, #tpu.memory_space<hbm>> -> memref<1x6400xi32, #tpu.memory_space<hbm>>
    %dma_start3A_4 = tpu.memref_squeeze %dma_start3A_3 : memref<1x6400xi32, #tpu.memory_space<hbm>> -> memref<6400xi32, #tpu.memory_space<hbm>>
    %dma_start3A_5 = arith.constant 0 : i32
    %dma_start3A_6 = tpu.memref_slice %arg3[%add3A, %dma_start3A_5] : memref<32x25600xi32, #tpu.memory_space<hbm>> -> memref<1x6400xi32, #tpu.memory_space<hbm>>
    %dma_start3A_7 = tpu.memref_squeeze %dma_start3A_6 : memref<1x6400xi32, #tpu.memory_space<hbm>> -> memref<6400xi32, #tpu.memory_space<hbm>>
    tpu.enqueue_dma source(%dma_start3A_7 : memref<6400xi32, #tpu.memory_space<hbm>>) target(%arg7 : memref<6400xi32, #tpu.memory_space<vmem>>) target_semaphore(%arg12 : memref<!tpu.dma_semaphore, #tpu.memory_space<semaphore_mem>>)
    %eq3A = arith.constant 0 : i32
    %eq3A_8 = arith.cmpi eq, %arg1, %eq3A : i32
    %convert_element_type3A = arith.extui %eq3A_8 : i1 to i32
    %cond3A = arith.constant 0 : i32
    %cond3A_9 = arith.cmpi ne, %convert_element_type3A, %cond3A : i32
    scf.if %cond3A_9 {
      %run_scoped3A_157 = arith.constant 0 : i32
      "tpu.region"() ({
        %run_scoped3A_158 = tpu.sem_alloc : memref<!tpu.dma_semaphore, #tpu.memory_space<semaphore_mem>>
        %dma_start3A_159 = arith.constant 0 : i32
        %dma_start3A_160 = tpu.memref_slice %arg2[%run_scoped3A_157, %dma_start3A_159] : memref<1x100352xi32, #tpu.memory_space<hbm>> -> memref<1x100096xi32, #tpu.memory_space<hbm>>
        %dma_start3A_161 = tpu.memref_squeeze %dma_start3A_160 : memref<1x100096xi32, #tpu.memory_space<hbm>> -> memref<100096xi32, #tpu.memory_space<hbm>>
        tpu.enqueue_dma source(%dma_start3A_161 : memref<100096xi32, #tpu.memory_space<hbm>>) target(%arg6 : memref<100096xi32, #tpu.memory_space<vmem_shared>>) target_semaphore(%run_scoped3A_158 : memref<!tpu.dma_semaphore, #tpu.memory_space<semaphore_mem>>)
        %dma_wait3A_162 = arith.constant 0 : i32
        %dma_wait3A_163 = tpu.memref_slice %arg2[%run_scoped3A_157, %dma_wait3A_162] : memref<1x100352xi32, #tpu.memory_space<hbm>> -> memref<1x100096xi32, #tpu.memory_space<hbm>>
        %dma_wait3A_164 = tpu.memref_squeeze %dma_wait3A_163 : memref<1x100096xi32, #tpu.memory_space<hbm>> -> memref<100096xi32, #tpu.memory_space<hbm>>
        tpu.wait_dma2 semaphore(%run_scoped3A_158 : memref<!tpu.dma_semaphore, #tpu.memory_space<semaphore_mem>>) src(%dma_wait3A_164 : memref<100096xi32, #tpu.memory_space<hbm>>) dst(%arg6 : memref<100096xi32, #tpu.memory_space<vmem_shared>>)
        tpu.yield
      }) : () -> ()
    } else {
    }
    %barrier3A = arith.constant 0 : index
    tpu.barrier barrier_id(%barrier3A)
    tpu.enqueue_dma source(%arg6 : memref<100096xi32, #tpu.memory_space<vmem_shared>>) target(%arg5 : memref<100096xi32, #tpu.memory_space<vmem>>) target_semaphore(%arg11 : memref<!tpu.dma_semaphore, #tpu.memory_space<semaphore_mem>>)
    tpu.wait_dma2 semaphore(%arg11 : memref<!tpu.dma_semaphore, #tpu.memory_space<semaphore_mem>>) src(%arg6 : memref<100096xi32, #tpu.memory_space<vmem_shared>>) dst(%arg5 : memref<100096xi32, #tpu.memory_space<vmem>>)
    %broadcast_in_dim3A = arith.constant 0.000000e+00 : f32
    %broadcast_in_dim3A_10 = vector.broadcast %broadcast_in_dim3A : f32 to vector<16xf32>
    %broadcast_in_dim3A_11 = arith.constant -65536 : i32
    %broadcast_in_dim3A_12 = vector.broadcast %broadcast_in_dim3A_11 : i32 to vector<16xi32>
    %dma_start3A_13 = arith.constant 6400 : i32
    %dma_start3A_14 = tpu.memref_slice %arg3[%add3A, %dma_start3A_13] : memref<32x25600xi32, #tpu.memory_space<hbm>> -> memref<1x6400xi32, #tpu.memory_space<hbm>>
    %dma_start3A_15 = tpu.memref_squeeze %dma_start3A_14 : memref<1x6400xi32, #tpu.memory_space<hbm>> -> memref<6400xi32, #tpu.memory_space<hbm>>
    %dma_start3A_16 = arith.constant 6400 : i32
    %dma_start3A_17 = tpu.memref_slice %arg3[%add3A, %dma_start3A_16] : memref<32x25600xi32, #tpu.memory_space<hbm>> -> memref<1x6400xi32, #tpu.memory_space<hbm>>
    %dma_start3A_18 = tpu.memref_squeeze %dma_start3A_17 : memref<1x6400xi32, #tpu.memory_space<hbm>> -> memref<6400xi32, #tpu.memory_space<hbm>>
    tpu.enqueue_dma source(%dma_start3A_18 : memref<6400xi32, #tpu.memory_space<hbm>>) target(%arg8 : memref<6400xi32, #tpu.memory_space<vmem>>) target_semaphore(%arg13 : memref<!tpu.dma_semaphore, #tpu.memory_space<semaphore_mem>>)
    %dma_wait3A = arith.constant 0 : i32
    %dma_wait3A_19 = tpu.memref_slice %arg3[%add3A, %dma_wait3A] : memref<32x25600xi32, #tpu.memory_space<hbm>> -> memref<1x6400xi32, #tpu.memory_space<hbm>>
    %dma_wait3A_20 = tpu.memref_squeeze %dma_wait3A_19 : memref<1x6400xi32, #tpu.memory_space<hbm>> -> memref<6400xi32, #tpu.memory_space<hbm>>
    %dma_wait3A_21 = arith.constant 0 : i32
    %dma_wait3A_22 = tpu.memref_slice %arg3[%add3A, %dma_wait3A_21] : memref<32x25600xi32, #tpu.memory_space<hbm>> -> memref<1x6400xi32, #tpu.memory_space<hbm>>
    %dma_wait3A_23 = tpu.memref_squeeze %dma_wait3A_22 : memref<1x6400xi32, #tpu.memory_space<hbm>> -> memref<6400xi32, #tpu.memory_space<hbm>>
    tpu.wait_dma2 semaphore(%arg12 : memref<!tpu.dma_semaphore, #tpu.memory_space<semaphore_mem>>) src(%dma_wait3A_23 : memref<6400xi32, #tpu.memory_space<hbm>>) dst(%arg7 : memref<6400xi32, #tpu.memory_space<vmem>>)
    %scan3A = arith.constant 0 : i32
    %scan3A_24 = arith.constant 50 : i32
    %scan3A_25 = arith.addi %scan3A, %scan3A_24 : i32
    %scan3A_26 = arith.constant 2 : i32
    %scan3A_27:16 = scf.for %scan3A_157 = %scan3A to %scan3A_25 step %scan3A_26 iter_args(%scan3A_158 = %broadcast_in_dim3A_10, %scan3A_159 = %broadcast_in_dim3A_10, %scan3A_160 = %broadcast_in_dim3A_10, %scan3A_161 = %broadcast_in_dim3A_10, %scan3A_162 = %broadcast_in_dim3A_10, %scan3A_163 = %broadcast_in_dim3A_10, %scan3A_164 = %broadcast_in_dim3A_10, %scan3A_165 = %broadcast_in_dim3A_10, %scan3A_166 = %broadcast_in_dim3A_10, %scan3A_167 = %broadcast_in_dim3A_10, %scan3A_168 = %broadcast_in_dim3A_10, %scan3A_169 = %broadcast_in_dim3A_10, %scan3A_170 = %broadcast_in_dim3A_10, %scan3A_171 = %broadcast_in_dim3A_10, %scan3A_172 = %broadcast_in_dim3A_10, %scan3A_173 = %broadcast_in_dim3A_10) -> (vector<16xf32>, vector<16xf32>, vector<16xf32>, vector<16xf32>, vector<16xf32>, vector<16xf32>, vector<16xf32>, vector<16xf32>, vector<16xf32>, vector<16xf32>, vector<16xf32>, vector<16xf32>, vector<16xf32>, vector<16xf32>, vector<16xf32>, vector<16xf32>)  : i32 {
      %mul3A_174 = arith.constant 128 : i32
      %mul3A_175 = arith.muli %scan3A_157, %mul3A_174 : i32
      %add3A_176 = arith.constant 0 : i32
      %add3A_177 = arith.addi %mul3A_175, %add3A_176 : i32
      %get3A = arith.index_cast %add3A_177 : i32 to index
      %get3A_178 = tpu.vector_load %arg7[%get3A] {strides = array<i32>} : memref<6400xi32, #tpu.memory_space<vmem>>, vector<16xi32>,
      %gather3A = tpu.vector_load_idx %arg5[%get3A_178] : memref<100096xi32, #tpu.memory_space<vmem>>[vector<16xi32>], vector<16xi32>,
      %shift_left3A = arith.constant 16 : i32
      %shift_left3A_179 = vector.broadcast %shift_left3A : i32 to vector<16xi32>
      %shift_left3A_180 = arith.shli %gather3A, %shift_left3A_179 : vector<16xi32>
      %bitcast3A = vector.bitcast %shift_left3A_180 : vector<16xi32> to vector<16xf32>
      %and3A = arith.andi %gather3A, %broadcast_in_dim3A_12 : vector<16xi32>
      %bitcast3A_181 = vector.bitcast %and3A : vector<16xi32> to vector<16xf32>
      %add3A_182 = arith.addf %scan3A_158, %bitcast3A : vector<16xf32>
      %add3A_183 = arith.addf %scan3A_159, %bitcast3A_181 : vector<16xf32>
      %mul3A_184 = arith.constant 128 : i32
      %mul3A_185 = arith.muli %scan3A_157, %mul3A_184 : i32
      %add3A_186 = arith.constant 16 : i32
      %add3A_187 = arith.addi %mul3A_185, %add3A_186 : i32
      %get3A_188 = arith.index_cast %add3A_187 : i32 to index
      %get3A_189 = tpu.vector_load %arg7[%get3A_188] {strides = array<i32>} : memref<6400xi32, #tpu.memory_space<vmem>>, vector<16xi32>,
      %gather3A_190 = tpu.vector_load_idx %arg5[%get3A_189] : memref<100096xi32, #tpu.memory_space<vmem>>[vector<16xi32>], vector<16xi32>,
      %shift_left3A_191 = arith.constant 16 : i32
      %shift_left3A_192 = vector.broadcast %shift_left3A_191 : i32 to vector<16xi32>
      %shift_left3A_193 = arith.shli %gather3A_190, %shift_left3A_192 : vector<16xi32>
      %bitcast3A_194 = vector.bitcast %shift_left3A_193 : vector<16xi32> to vector<16xf32>
      %and3A_195 = arith.andi %gather3A_190, %broadcast_in_dim3A_12 : vector<16xi32>
      %bitcast3A_196 = vector.bitcast %and3A_195 : vector<16xi32> to vector<16xf32>
      %add3A_197 = arith.addf %scan3A_160, %bitcast3A_194 : vector<16xf32>
      %add3A_198 = arith.addf %scan3A_161, %bitcast3A_196 : vector<16xf32>
      %mul3A_199 = arith.constant 128 : i32
      %mul3A_200 = arith.muli %scan3A_157, %mul3A_199 : i32
      %add3A_201 = arith.constant 32 : i32
      %add3A_202 = arith.addi %mul3A_200, %add3A_201 : i32
      %get3A_203 = arith.index_cast %add3A_202 : i32 to index
      %get3A_204 = tpu.vector_load %arg7[%get3A_203] {strides = array<i32>} : memref<6400xi32, #tpu.memory_space<vmem>>, vector<16xi32>,
      %gather3A_205 = tpu.vector_load_idx %arg5[%get3A_204] : memref<100096xi32, #tpu.memory_space<vmem>>[vector<16xi32>], vector<16xi32>,
      %shift_left3A_206 = arith.constant 16 : i32
      %shift_left3A_207 = vector.broadcast %shift_left3A_206 : i32 to vector<16xi32>
      %shift_left3A_208 = arith.shli %gather3A_205, %shift_left3A_207 : vector<16xi32>
      %bitcast3A_209 = vector.bitcast %shift_left3A_208 : vector<16xi32> to vector<16xf32>
      %and3A_210 = arith.andi %gather3A_205, %broadcast_in_dim3A_12 : vector<16xi32>
      %bitcast3A_211 = vector.bitcast %and3A_210 : vector<16xi32> to vector<16xf32>
      %add3A_212 = arith.addf %scan3A_162, %bitcast3A_209 : vector<16xf32>
      %add3A_213 = arith.addf %scan3A_163, %bitcast3A_211 : vector<16xf32>
      %mul3A_214 = arith.constant 128 : i32
      %mul3A_215 = arith.muli %scan3A_157, %mul3A_214 : i32
      %add3A_216 = arith.constant 48 : i32
      %add3A_217 = arith.addi %mul3A_215, %add3A_216 : i32
      %get3A_218 = arith.index_cast %add3A_217 : i32 to index
      %get3A_219 = tpu.vector_load %arg7[%get3A_218] {strides = array<i32>} : memref<6400xi32, #tpu.memory_space<vmem>>, vector<16xi32>,
      %gather3A_220 = tpu.vector_load_idx %arg5[%get3A_219] : memref<100096xi32, #tpu.memory_space<vmem>>[vector<16xi32>], vector<16xi32>,
      %shift_left3A_221 = arith.constant 16 : i32
      %shift_left3A_222 = vector.broadcast %shift_left3A_221 : i32 to vector<16xi32>
      %shift_left3A_223 = arith.shli %gather3A_220, %shift_left3A_222 : vector<16xi32>
      %bitcast3A_224 = vector.bitcast %shift_left3A_223 : vector<16xi32> to vector<16xf32>
      %and3A_225 = arith.andi %gather3A_220, %broadcast_in_dim3A_12 : vector<16xi32>
      %bitcast3A_226 = vector.bitcast %and3A_225 : vector<16xi32> to vector<16xf32>
      %add3A_227 = arith.addf %scan3A_164, %bitcast3A_224 : vector<16xf32>
      %add3A_228 = arith.addf %scan3A_165, %bitcast3A_226 : vector<16xf32>
      %mul3A_229 = arith.constant 128 : i32
      %mul3A_230 = arith.muli %scan3A_157, %mul3A_229 : i32
      %add3A_231 = arith.constant 64 : i32
      %add3A_232 = arith.addi %mul3A_230, %add3A_231 : i32
      %get3A_233 = arith.index_cast %add3A_232 : i32 to index
      %get3A_234 = tpu.vector_load %arg7[%get3A_233] {strides = array<i32>} : memref<6400xi32, #tpu.memory_space<vmem>>, vector<16xi32>,
      %gather3A_235 = tpu.vector_load_idx %arg5[%get3A_234] : memref<100096xi32, #tpu.memory_space<vmem>>[vector<16xi32>], vector<16xi32>,
      %shift_left3A_236 = arith.constant 16 : i32
      %shift_left3A_237 = vector.broadcast %shift_left3A_236 : i32 to vector<16xi32>
      %shift_left3A_238 = arith.shli %gather3A_235, %shift_left3A_237 : vector<16xi32>
      %bitcast3A_239 = vector.bitcast %shift_left3A_238 : vector<16xi32> to vector<16xf32>
      %and3A_240 = arith.andi %gather3A_235, %broadcast_in_dim3A_12 : vector<16xi32>
      %bitcast3A_241 = vector.bitcast %and3A_240 : vector<16xi32> to vector<16xf32>
      %add3A_242 = arith.addf %scan3A_166, %bitcast3A_239 : vector<16xf32>
      %add3A_243 = arith.addf %scan3A_167, %bitcast3A_241 : vector<16xf32>
      %mul3A_244 = arith.constant 128 : i32
      %mul3A_245 = arith.muli %scan3A_157, %mul3A_244 : i32
      %add3A_246 = arith.constant 80 : i32
      %add3A_247 = arith.addi %mul3A_245, %add3A_246 : i32
      %get3A_248 = arith.index_cast %add3A_247 : i32 to index
      %get3A_249 = tpu.vector_load %arg7[%get3A_248] {strides = array<i32>} : memref<6400xi32, #tpu.memory_space<vmem>>, vector<16xi32>,
      %gather3A_250 = tpu.vector_load_idx %arg5[%get3A_249] : memref<100096xi32, #tpu.memory_space<vmem>>[vector<16xi32>], vector<16xi32>,
      %shift_left3A_251 = arith.constant 16 : i32
      %shift_left3A_252 = vector.broadcast %shift_left3A_251 : i32 to vector<16xi32>
      %shift_left3A_253 = arith.shli %gather3A_250, %shift_left3A_252 : vector<16xi32>
      %bitcast3A_254 = vector.bitcast %shift_left3A_253 : vector<16xi32> to vector<16xf32>
      %and3A_255 = arith.andi %gather3A_250, %broadcast_in_dim3A_12 : vector<16xi32>
      %bitcast3A_256 = vector.bitcast %and3A_255 : vector<16xi32> to vector<16xf32>
      %add3A_257 = arith.addf %scan3A_168, %bitcast3A_254 : vector<16xf32>
      %add3A_258 = arith.addf %scan3A_169, %bitcast3A_256 : vector<16xf32>
      %mul3A_259 = arith.constant 128 : i32
      %mul3A_260 = arith.muli %scan3A_157, %mul3A_259 : i32
      %add3A_261 = arith.constant 96 : i32
      %add3A_262 = arith.addi %mul3A_260, %add3A_261 : i32
      %get3A_263 = arith.index_cast %add3A_262 : i32 to index
      %get3A_264 = tpu.vector_load %arg7[%get3A_263] {strides = array<i32>} : memref<6400xi32, #tpu.memory_space<vmem>>, vector<16xi32>,
      %gather3A_265 = tpu.vector_load_idx %arg5[%get3A_264] : memref<100096xi32, #tpu.memory_space<vmem>>[vector<16xi32>], vector<16xi32>,
      %shift_left3A_266 = arith.constant 16 : i32
      %shift_left3A_267 = vector.broadcast %shift_left3A_266 : i32 to vector<16xi32>
      %shift_left3A_268 = arith.shli %gather3A_265, %shift_left3A_267 : vector<16xi32>
      %bitcast3A_269 = vector.bitcast %shift_left3A_268 : vector<16xi32> to vector<16xf32>
      %and3A_270 = arith.andi %gather3A_265, %broadcast_in_dim3A_12 : vector<16xi32>
      %bitcast3A_271 = vector.bitcast %and3A_270 : vector<16xi32> to vector<16xf32>
      %add3A_272 = arith.addf %scan3A_170, %bitcast3A_269 : vector<16xf32>
      %add3A_273 = arith.addf %scan3A_171, %bitcast3A_271 : vector<16xf32>
      %mul3A_274 = arith.constant 128 : i32
      %mul3A_275 = arith.muli %scan3A_157, %mul3A_274 : i32
      %add3A_276 = arith.constant 112 : i32
      %add3A_277 = arith.addi %mul3A_275, %add3A_276 : i32
      %get3A_278 = arith.index_cast %add3A_277 : i32 to index
      %get3A_279 = tpu.vector_load %arg7[%get3A_278] {strides = array<i32>} : memref<6400xi32, #tpu.memory_space<vmem>>, vector<16xi32>,
      %gather3A_280 = tpu.vector_load_idx %arg5[%get3A_279] : memref<100096xi32, #tpu.memory_space<vmem>>[vector<16xi32>], vector<16xi32>,
      %shift_left3A_281 = arith.constant 16 : i32
      %shift_left3A_282 = vector.broadcast %shift_left3A_281 : i32 to vector<16xi32>
      %shift_left3A_283 = arith.shli %gather3A_280, %shift_left3A_282 : vector<16xi32>
      %bitcast3A_284 = vector.bitcast %shift_left3A_283 : vector<16xi32> to vector<16xf32>
      %and3A_285 = arith.andi %gather3A_280, %broadcast_in_dim3A_12 : vector<16xi32>
      %bitcast3A_286 = vector.bitcast %and3A_285 : vector<16xi32> to vector<16xf32>
      %add3A_287 = arith.addf %scan3A_172, %bitcast3A_284 : vector<16xf32>
      %add3A_288 = arith.addf %scan3A_173, %bitcast3A_286 : vector<16xf32>
      %scan3A_289 = arith.constant 1 : i32
      %scan3A_290 = arith.addi %scan3A_157, %scan3A_289 : i32
      %mul3A_291 = arith.constant 128 : i32
      %mul3A_292 = arith.muli %scan3A_290, %mul3A_291 : i32
      %add3A_293 = arith.constant 0 : i32
      %add3A_294 = arith.addi %mul3A_292, %add3A_293 : i32
      %get3A_295 = arith.index_cast %add3A_294 : i32 to index
      %get3A_296 = tpu.vector_load %arg7[%get3A_295] {strides = array<i32>} : memref<6400xi32, #tpu.memory_space<vmem>>, vector<16xi32>,
      %gather3A_297 = tpu.vector_load_idx %arg5[%get3A_296] : memref<100096xi32, #tpu.memory_space<vmem>>[vector<16xi32>], vector<16xi32>,
      %shift_left3A_298 = arith.constant 16 : i32
      %shift_left3A_299 = vector.broadcast %shift_left3A_298 : i32 to vector<16xi32>
      %shift_left3A_300 = arith.shli %gather3A_297, %shift_left3A_299 : vector<16xi32>
      %bitcast3A_301 = vector.bitcast %shift_left3A_300 : vector<16xi32> to vector<16xf32>
      %and3A_302 = arith.andi %gather3A_297, %broadcast_in_dim3A_12 : vector<16xi32>
      %bitcast3A_303 = vector.bitcast %and3A_302 : vector<16xi32> to vector<16xf32>
      %add3A_304 = arith.addf %add3A_182, %bitcast3A_301 : vector<16xf32>
      %add3A_305 = arith.addf %add3A_183, %bitcast3A_303 : vector<16xf32>
      %mul3A_306 = arith.constant 128 : i32
      %mul3A_307 = arith.muli %scan3A_290, %mul3A_306 : i32
      %add3A_308 = arith.constant 16 : i32
      %add3A_309 = arith.addi %mul3A_307, %add3A_308 : i32
      %get3A_310 = arith.index_cast %add3A_309 : i32 to index
      %get3A_311 = tpu.vector_load %arg7[%get3A_310] {strides = array<i32>} : memref<6400xi32, #tpu.memory_space<vmem>>, vector<16xi32>,
      %gather3A_312 = tpu.vector_load_idx %arg5[%get3A_311] : memref<100096xi32, #tpu.memory_space<vmem>>[vector<16xi32>], vector<16xi32>,
      %shift_left3A_313 = arith.constant 16 : i32
      %shift_left3A_314 = vector.broadcast %shift_left3A_313 : i32 to vector<16xi32>
      %shift_left3A_315 = arith.shli %gather3A_312, %shift_left3A_314 : vector<16xi32>
      %bitcast3A_316 = vector.bitcast %shift_left3A_315 : vector<16xi32> to vector<16xf32>
      %and3A_317 = arith.andi %gather3A_312, %broadcast_in_dim3A_12 : vector<16xi32>
      %bitcast3A_318 = vector.bitcast %and3A_317 : vector<16xi32> to vector<16xf32>
      %add3A_319 = arith.addf %add3A_197, %bitcast3A_316 : vector<16xf32>
      %add3A_320 = arith.addf %add3A_198, %bitcast3A_318 : vector<16xf32>
      %mul3A_321 = arith.constant 128 : i32
      %mul3A_322 = arith.muli %scan3A_290, %mul3A_321 : i32
      %add3A_323 = arith.constant 32 : i32
      %add3A_324 = arith.addi %mul3A_322, %add3A_323 : i32
      %get3A_325 = arith.index_cast %add3A_324 : i32 to index
      %get3A_326 = tpu.vector_load %arg7[%get3A_325] {strides = array<i32>} : memref<6400xi32, #tpu.memory_space<vmem>>, vector<16xi32>,
      %gather3A_327 = tpu.vector_load_idx %arg5[%get3A_326] : memref<100096xi32, #tpu.memory_space<vmem>>[vector<16xi32>], vector<16xi32>,
      %shift_left3A_328 = arith.constant 16 : i32
      %shift_left3A_329 = vector.broadcast %shift_left3A_328 : i32 to vector<16xi32>
      %shift_left3A_330 = arith.shli %gather3A_327, %shift_left3A_329 : vector<16xi32>
      %bitcast3A_331 = vector.bitcast %shift_left3A_330 : vector<16xi32> to vector<16xf32>
      %and3A_332 = arith.andi %gather3A_327, %broadcast_in_dim3A_12 : vector<16xi32>
      %bitcast3A_333 = vector.bitcast %and3A_332 : vector<16xi32> to vector<16xf32>
      %add3A_334 = arith.addf %add3A_212, %bitcast3A_331 : vector<16xf32>
      %add3A_335 = arith.addf %add3A_213, %bitcast3A_333 : vector<16xf32>
      %mul3A_336 = arith.constant 128 : i32
      %mul3A_337 = arith.muli %scan3A_290, %mul3A_336 : i32
      %add3A_338 = arith.constant 48 : i32
      %add3A_339 = arith.addi %mul3A_337, %add3A_338 : i32
      %get3A_340 = arith.index_cast %add3A_339 : i32 to index
      %get3A_341 = tpu.vector_load %arg7[%get3A_340] {strides = array<i32>} : memref<6400xi32, #tpu.memory_space<vmem>>, vector<16xi32>,
      %gather3A_342 = tpu.vector_load_idx %arg5[%get3A_341] : memref<100096xi32, #tpu.memory_space<vmem>>[vector<16xi32>], vector<16xi32>,
      %shift_left3A_343 = arith.constant 16 : i32
      %shift_left3A_344 = vector.broadcast %shift_left3A_343 : i32 to vector<16xi32>
      %shift_left3A_345 = arith.shli %gather3A_342, %shift_left3A_344 : vector<16xi32>
      %bitcast3A_346 = vector.bitcast %shift_left3A_345 : vector<16xi32> to vector<16xf32>
      %and3A_347 = arith.andi %gather3A_342, %broadcast_in_dim3A_12 : vector<16xi32>
      %bitcast3A_348 = vector.bitcast %and3A_347 : vector<16xi32> to vector<16xf32>
      %add3A_349 = arith.addf %add3A_227, %bitcast3A_346 : vector<16xf32>
      %add3A_350 = arith.addf %add3A_228, %bitcast3A_348 : vector<16xf32>
      %mul3A_351 = arith.constant 128 : i32
      %mul3A_352 = arith.muli %scan3A_290, %mul3A_351 : i32
      %add3A_353 = arith.constant 64 : i32
      %add3A_354 = arith.addi %mul3A_352, %add3A_353 : i32
      %get3A_355 = arith.index_cast %add3A_354 : i32 to index
      %get3A_356 = tpu.vector_load %arg7[%get3A_355] {strides = array<i32>} : memref<6400xi32, #tpu.memory_space<vmem>>, vector<16xi32>,
      %gather3A_357 = tpu.vector_load_idx %arg5[%get3A_356] : memref<100096xi32, #tpu.memory_space<vmem>>[vector<16xi32>], vector<16xi32>,
      %shift_left3A_358 = arith.constant 16 : i32
      %shift_left3A_359 = vector.broadcast %shift_left3A_358 : i32 to vector<16xi32>
      %shift_left3A_360 = arith.shli %gather3A_357, %shift_left3A_359 : vector<16xi32>
      %bitcast3A_361 = vector.bitcast %shift_left3A_360 : vector<16xi32> to vector<16xf32>
      %and3A_362 = arith.andi %gather3A_357, %broadcast_in_dim3A_12 : vector<16xi32>
      %bitcast3A_363 = vector.bitcast %and3A_362 : vector<16xi32> to vector<16xf32>
      %add3A_364 = arith.addf %add3A_242, %bitcast3A_361 : vector<16xf32>
      %add3A_365 = arith.addf %add3A_243, %bitcast3A_363 : vector<16xf32>
      %mul3A_366 = arith.constant 128 : i32
      %mul3A_367 = arith.muli %scan3A_290, %mul3A_366 : i32
      %add3A_368 = arith.constant 80 : i32
      %add3A_369 = arith.addi %mul3A_367, %add3A_368 : i32
      %get3A_370 = arith.index_cast %add3A_369 : i32 to index
      %get3A_371 = tpu.vector_load %arg7[%get3A_370] {strides = array<i32>} : memref<6400xi32, #tpu.memory_space<vmem>>, vector<16xi32>,
      %gather3A_372 = tpu.vector_load_idx %arg5[%get3A_371] : memref<100096xi32, #tpu.memory_space<vmem>>[vector<16xi32>], vector<16xi32>,
      %shift_left3A_373 = arith.constant 16 : i32
      %shift_left3A_374 = vector.broadcast %shift_left3A_373 : i32 to vector<16xi32>
      %shift_left3A_375 = arith.shli %gather3A_372, %shift_left3A_374 : vector<16xi32>
      %bitcast3A_376 = vector.bitcast %shift_left3A_375 : vector<16xi32> to vector<16xf32>
      %and3A_377 = arith.andi %gather3A_372, %broadcast_in_dim3A_12 : vector<16xi32>
      %bitcast3A_378 = vector.bitcast %and3A_377 : vector<16xi32> to vector<16xf32>
      %add3A_379 = arith.addf %add3A_257, %bitcast3A_376 : vector<16xf32>
      %add3A_380 = arith.addf %add3A_258, %bitcast3A_378 : vector<16xf32>
      %mul3A_381 = arith.constant 128 : i32
      %mul3A_382 = arith.muli %scan3A_290, %mul3A_381 : i32
      %add3A_383 = arith.constant 96 : i32
      %add3A_384 = arith.addi %mul3A_382, %add3A_383 : i32
      %get3A_385 = arith.index_cast %add3A_384 : i32 to index
      %get3A_386 = tpu.vector_load %arg7[%get3A_385] {strides = array<i32>} : memref<6400xi32, #tpu.memory_space<vmem>>, vector<16xi32>,
      %gather3A_387 = tpu.vector_load_idx %arg5[%get3A_386] : memref<100096xi32, #tpu.memory_space<vmem>>[vector<16xi32>], vector<16xi32>,
      %shift_left3A_388 = arith.constant 16 : i32
      %shift_left3A_389 = vector.broadcast %shift_left3A_388 : i32 to vector<16xi32>
      %shift_left3A_390 = arith.shli %gather3A_387, %shift_left3A_389 : vector<16xi32>
      %bitcast3A_391 = vector.bitcast %shift_left3A_390 : vector<16xi32> to vector<16xf32>
      %and3A_392 = arith.andi %gather3A_387, %broadcast_in_dim3A_12 : vector<16xi32>
      %bitcast3A_393 = vector.bitcast %and3A_392 : vector<16xi32> to vector<16xf32>
      %add3A_394 = arith.addf %add3A_272, %bitcast3A_391 : vector<16xf32>
      %add3A_395 = arith.addf %add3A_273, %bitcast3A_393 : vector<16xf32>
      %mul3A_396 = arith.constant 128 : i32
      %mul3A_397 = arith.muli %scan3A_290, %mul3A_396 : i32
      %add3A_398 = arith.constant 112 : i32
      %add3A_399 = arith.addi %mul3A_397, %add3A_398 : i32
      %get3A_400 = arith.index_cast %add3A_399 : i32 to index
      %get3A_401 = tpu.vector_load %arg7[%get3A_400] {strides = array<i32>} : memref<6400xi32, #tpu.memory_space<vmem>>, vector<16xi32>,
      %gather3A_402 = tpu.vector_load_idx %arg5[%get3A_401] : memref<100096xi32, #tpu.memory_space<vmem>>[vector<16xi32>], vector<16xi32>,
      %shift_left3A_403 = arith.constant 16 : i32
      %shift_left3A_404 = vector.broadcast %shift_left3A_403 : i32 to vector<16xi32>
      %shift_left3A_405 = arith.shli %gather3A_402, %shift_left3A_404 : vector<16xi32>
      %bitcast3A_406 = vector.bitcast %shift_left3A_405 : vector<16xi32> to vector<16xf32>
      %and3A_407 = arith.andi %gather3A_402, %broadcast_in_dim3A_12 : vector<16xi32>
      %bitcast3A_408 = vector.bitcast %and3A_407 : vector<16xi32> to vector<16xf32>
      %add3A_409 = arith.addf %add3A_287, %bitcast3A_406 : vector<16xf32>
      %add3A_410 = arith.addf %add3A_288, %bitcast3A_408 : vector<16xf32>
      scf.yield %add3A_304, %add3A_305, %add3A_319, %add3A_320, %add3A_334, %add3A_335, %add3A_349, %add3A_350, %add3A_364, %add3A_365, %add3A_379, %add3A_380, %add3A_394, %add3A_395, %add3A_409, %add3A_410 : vector<16xf32>, vector<16xf32>, vector<16xf32>, vector<16xf32>, vector<16xf32>, vector<16xf32>, vector<16xf32>, vector<16xf32>, vector<16xf32>, vector<16xf32>, vector<16xf32>, vector<16xf32>, vector<16xf32>, vector<16xf32>, vector<16xf32>, vector<16xf32>
    }
    %scan3A_28 = arith.constant 50 : i32
    %dma_start3A_29 = arith.constant 12800 : i32
    %dma_start3A_30 = tpu.memref_slice %arg3[%add3A, %dma_start3A_29] : memref<32x25600xi32, #tpu.memory_space<hbm>> -> memref<1x6400xi32, #tpu.memory_space<hbm>>
    %dma_start3A_31 = tpu.memref_squeeze %dma_start3A_30 : memref<1x6400xi32, #tpu.memory_space<hbm>> -> memref<6400xi32, #tpu.memory_space<hbm>>
    %dma_start3A_32 = arith.constant 12800 : i32
    %dma_start3A_33 = tpu.memref_slice %arg3[%add3A, %dma_start3A_32] : memref<32x25600xi32, #tpu.memory_space<hbm>> -> memref<1x6400xi32, #tpu.memory_space<hbm>>
    %dma_start3A_34 = tpu.memref_squeeze %dma_start3A_33 : memref<1x6400xi32, #tpu.memory_space<hbm>> -> memref<6400xi32, #tpu.memory_space<hbm>>
    tpu.enqueue_dma source(%dma_start3A_34 : memref<6400xi32, #tpu.memory_space<hbm>>) target(%arg7 : memref<6400xi32, #tpu.memory_space<vmem>>) target_semaphore(%arg12 : memref<!tpu.dma_semaphore, #tpu.memory_space<semaphore_mem>>)
    %dma_wait3A_35 = arith.constant 6400 : i32
    %dma_wait3A_36 = tpu.memref_slice %arg3[%add3A, %dma_wait3A_35] : memref<32x25600xi32, #tpu.memory_space<hbm>> -> memref<1x6400xi32, #tpu.memory_space<hbm>>
    %dma_wait3A_37 = tpu.memref_squeeze %dma_wait3A_36 : memref<1x6400xi32, #tpu.memory_space<hbm>> -> memref<6400xi32, #tpu.memory_space<hbm>>
    %dma_wait3A_38 = arith.constant 6400 : i32
    %dma_wait3A_39 = tpu.memref_slice %arg3[%add3A, %dma_wait3A_38] : memref<32x25600xi32, #tpu.memory_space<hbm>> -> memref<1x6400xi32, #tpu.memory_space<hbm>>
    %dma_wait3A_40 = tpu.memref_squeeze %dma_wait3A_39 : memref<1x6400xi32, #tpu.memory_space<hbm>> -> memref<6400xi32, #tpu.memory_space<hbm>>
    tpu.wait_dma2 semaphore(%arg13 : memref<!tpu.dma_semaphore, #tpu.memory_space<semaphore_mem>>) src(%dma_wait3A_40 : memref<6400xi32, #tpu.memory_space<hbm>>) dst(%arg8 : memref<6400xi32, #tpu.memory_space<vmem>>)
    %scan3A_41 = arith.constant 0 : i32
    %scan3A_42 = arith.constant 50 : i32
    %scan3A_43 = arith.addi %scan3A_41, %scan3A_42 : i32
    %scan3A_44 = arith.constant 2 : i32
    %scan3A_45:16 = scf.for %scan3A_157 = %scan3A_41 to %scan3A_43 step %scan3A_44 iter_args(%scan3A_158 = %scan3A_27#0, %scan3A_159 = %scan3A_27#1, %scan3A_160 = %scan3A_27#2, %scan3A_161 = %scan3A_27#3, %scan3A_162 = %scan3A_27#4, %scan3A_163 = %scan3A_27#5, %scan3A_164 = %scan3A_27#6, %scan3A_165 = %scan3A_27#7, %scan3A_166 = %scan3A_27#8, %scan3A_167 = %scan3A_27#9, %scan3A_168 = %scan3A_27#10, %scan3A_169 = %scan3A_27#11, %scan3A_170 = %scan3A_27#12, %scan3A_171 = %scan3A_27#13, %scan3A_172 = %scan3A_27#14, %scan3A_173 = %scan3A_27#15) -> (vector<16xf32>, vector<16xf32>, vector<16xf32>, vector<16xf32>, vector<16xf32>, vector<16xf32>, vector<16xf32>, vector<16xf32>, vector<16xf32>, vector<16xf32>, vector<16xf32>, vector<16xf32>, vector<16xf32>, vector<16xf32>, vector<16xf32>, vector<16xf32>)  : i32 {
      %mul3A_174 = arith.constant 128 : i32
      %mul3A_175 = arith.muli %scan3A_157, %mul3A_174 : i32
      %add3A_176 = arith.constant 0 : i32
      %add3A_177 = arith.addi %mul3A_175, %add3A_176 : i32
      %get3A = arith.index_cast %add3A_177 : i32 to index
      %get3A_178 = tpu.vector_load %arg8[%get3A] {strides = array<i32>} : memref<6400xi32, #tpu.memory_space<vmem>>, vector<16xi32>,
      %gather3A = tpu.vector_load_idx %arg5[%get3A_178] : memref<100096xi32, #tpu.memory_space<vmem>>[vector<16xi32>], vector<16xi32>,
      %shift_left3A = arith.constant 16 : i32
      %shift_left3A_179 = vector.broadcast %shift_left3A : i32 to vector<16xi32>
      %shift_left3A_180 = arith.shli %gather3A, %shift_left3A_179 : vector<16xi32>
      %bitcast3A = vector.bitcast %shift_left3A_180 : vector<16xi32> to vector<16xf32>
      %and3A = arith.andi %gather3A, %broadcast_in_dim3A_12 : vector<16xi32>
      %bitcast3A_181 = vector.bitcast %and3A : vector<16xi32> to vector<16xf32>
      %add3A_182 = arith.addf %scan3A_158, %bitcast3A : vector<16xf32>
      %add3A_183 = arith.addf %scan3A_159, %bitcast3A_181 : vector<16xf32>
      %mul3A_184 = arith.constant 128 : i32
      %mul3A_185 = arith.muli %scan3A_157, %mul3A_184 : i32
      %add3A_186 = arith.constant 16 : i32
      %add3A_187 = arith.addi %mul3A_185, %add3A_186 : i32
      %get3A_188 = arith.index_cast %add3A_187 : i32 to index
      %get3A_189 = tpu.vector_load %arg8[%get3A_188] {strides = array<i32>} : memref<6400xi32, #tpu.memory_space<vmem>>, vector<16xi32>,
      %gather3A_190 = tpu.vector_load_idx %arg5[%get3A_189] : memref<100096xi32, #tpu.memory_space<vmem>>[vector<16xi32>], vector<16xi32>,
      %shift_left3A_191 = arith.constant 16 : i32
      %shift_left3A_192 = vector.broadcast %shift_left3A_191 : i32 to vector<16xi32>
      %shift_left3A_193 = arith.shli %gather3A_190, %shift_left3A_192 : vector<16xi32>
      %bitcast3A_194 = vector.bitcast %shift_left3A_193 : vector<16xi32> to vector<16xf32>
      %and3A_195 = arith.andi %gather3A_190, %broadcast_in_dim3A_12 : vector<16xi32>
      %bitcast3A_196 = vector.bitcast %and3A_195 : vector<16xi32> to vector<16xf32>
      %add3A_197 = arith.addf %scan3A_160, %bitcast3A_194 : vector<16xf32>
      %add3A_198 = arith.addf %scan3A_161, %bitcast3A_196 : vector<16xf32>
      %mul3A_199 = arith.constant 128 : i32
      %mul3A_200 = arith.muli %scan3A_157, %mul3A_199 : i32
      %add3A_201 = arith.constant 32 : i32
      %add3A_202 = arith.addi %mul3A_200, %add3A_201 : i32
      %get3A_203 = arith.index_cast %add3A_202 : i32 to index
      %get3A_204 = tpu.vector_load %arg8[%get3A_203] {strides = array<i32>} : memref<6400xi32, #tpu.memory_space<vmem>>, vector<16xi32>,
      %gather3A_205 = tpu.vector_load_idx %arg5[%get3A_204] : memref<100096xi32, #tpu.memory_space<vmem>>[vector<16xi32>], vector<16xi32>,
      %shift_left3A_206 = arith.constant 16 : i32
      %shift_left3A_207 = vector.broadcast %shift_left3A_206 : i32 to vector<16xi32>
      %shift_left3A_208 = arith.shli %gather3A_205, %shift_left3A_207 : vector<16xi32>
      %bitcast3A_209 = vector.bitcast %shift_left3A_208 : vector<16xi32> to vector<16xf32>
      %and3A_210 = arith.andi %gather3A_205, %broadcast_in_dim3A_12 : vector<16xi32>
      %bitcast3A_211 = vector.bitcast %and3A_210 : vector<16xi32> to vector<16xf32>
      %add3A_212 = arith.addf %scan3A_162, %bitcast3A_209 : vector<16xf32>
      %add3A_213 = arith.addf %scan3A_163, %bitcast3A_211 : vector<16xf32>
      %mul3A_214 = arith.constant 128 : i32
      %mul3A_215 = arith.muli %scan3A_157, %mul3A_214 : i32
      %add3A_216 = arith.constant 48 : i32
      %add3A_217 = arith.addi %mul3A_215, %add3A_216 : i32
      %get3A_218 = arith.index_cast %add3A_217 : i32 to index
      %get3A_219 = tpu.vector_load %arg8[%get3A_218] {strides = array<i32>} : memref<6400xi32, #tpu.memory_space<vmem>>, vector<16xi32>,
      %gather3A_220 = tpu.vector_load_idx %arg5[%get3A_219] : memref<100096xi32, #tpu.memory_space<vmem>>[vector<16xi32>], vector<16xi32>,
      %shift_left3A_221 = arith.constant 16 : i32
      %shift_left3A_222 = vector.broadcast %shift_left3A_221 : i32 to vector<16xi32>
      %shift_left3A_223 = arith.shli %gather3A_220, %shift_left3A_222 : vector<16xi32>
      %bitcast3A_224 = vector.bitcast %shift_left3A_223 : vector<16xi32> to vector<16xf32>
      %and3A_225 = arith.andi %gather3A_220, %broadcast_in_dim3A_12 : vector<16xi32>
      %bitcast3A_226 = vector.bitcast %and3A_225 : vector<16xi32> to vector<16xf32>
      %add3A_227 = arith.addf %scan3A_164, %bitcast3A_224 : vector<16xf32>
      %add3A_228 = arith.addf %scan3A_165, %bitcast3A_226 : vector<16xf32>
      %mul3A_229 = arith.constant 128 : i32
      %mul3A_230 = arith.muli %scan3A_157, %mul3A_229 : i32
      %add3A_231 = arith.constant 64 : i32
      %add3A_232 = arith.addi %mul3A_230, %add3A_231 : i32
      %get3A_233 = arith.index_cast %add3A_232 : i32 to index
      %get3A_234 = tpu.vector_load %arg8[%get3A_233] {strides = array<i32>} : memref<6400xi32, #tpu.memory_space<vmem>>, vector<16xi32>,
      %gather3A_235 = tpu.vector_load_idx %arg5[%get3A_234] : memref<100096xi32, #tpu.memory_space<vmem>>[vector<16xi32>], vector<16xi32>,
      %shift_left3A_236 = arith.constant 16 : i32
      %shift_left3A_237 = vector.broadcast %shift_left3A_236 : i32 to vector<16xi32>
      %shift_left3A_238 = arith.shli %gather3A_235, %shift_left3A_237 : vector<16xi32>
      %bitcast3A_239 = vector.bitcast %shift_left3A_238 : vector<16xi32> to vector<16xf32>
      %and3A_240 = arith.andi %gather3A_235, %broadcast_in_dim3A_12 : vector<16xi32>
      %bitcast3A_241 = vector.bitcast %and3A_240 : vector<16xi32> to vector<16xf32>
      %add3A_242 = arith.addf %scan3A_166, %bitcast3A_239 : vector<16xf32>
      %add3A_243 = arith.addf %scan3A_167, %bitcast3A_241 : vector<16xf32>
      %mul3A_244 = arith.constant 128 : i32
      %mul3A_245 = arith.muli %scan3A_157, %mul3A_244 : i32
      %add3A_246 = arith.constant 80 : i32
      %add3A_247 = arith.addi %mul3A_245, %add3A_246 : i32
      %get3A_248 = arith.index_cast %add3A_247 : i32 to index
      %get3A_249 = tpu.vector_load %arg8[%get3A_248] {strides = array<i32>} : memref<6400xi32, #tpu.memory_space<vmem>>, vector<16xi32>,
      %gather3A_250 = tpu.vector_load_idx %arg5[%get3A_249] : memref<100096xi32, #tpu.memory_space<vmem>>[vector<16xi32>], vector<16xi32>,
      %shift_left3A_251 = arith.constant 16 : i32
      %shift_left3A_252 = vector.broadcast %shift_left3A_251 : i32 to vector<16xi32>
      %shift_left3A_253 = arith.shli %gather3A_250, %shift_left3A_252 : vector<16xi32>
      %bitcast3A_254 = vector.bitcast %shift_left3A_253 : vector<16xi32> to vector<16xf32>
      %and3A_255 = arith.andi %gather3A_250, %broadcast_in_dim3A_12 : vector<16xi32>
      %bitcast3A_256 = vector.bitcast %and3A_255 : vector<16xi32> to vector<16xf32>
      %add3A_257 = arith.addf %scan3A_168, %bitcast3A_254 : vector<16xf32>
      %add3A_258 = arith.addf %scan3A_169, %bitcast3A_256 : vector<16xf32>
      %mul3A_259 = arith.constant 128 : i32
      %mul3A_260 = arith.muli %scan3A_157, %mul3A_259 : i32
      %add3A_261 = arith.constant 96 : i32
      %add3A_262 = arith.addi %mul3A_260, %add3A_261 : i32
      %get3A_263 = arith.index_cast %add3A_262 : i32 to index
      %get3A_264 = tpu.vector_load %arg8[%get3A_263] {strides = array<i32>} : memref<6400xi32, #tpu.memory_space<vmem>>, vector<16xi32>,
      %gather3A_265 = tpu.vector_load_idx %arg5[%get3A_264] : memref<100096xi32, #tpu.memory_space<vmem>>[vector<16xi32>], vector<16xi32>,
      %shift_left3A_266 = arith.constant 16 : i32
      %shift_left3A_267 = vector.broadcast %shift_left3A_266 : i32 to vector<16xi32>
      %shift_left3A_268 = arith.shli %gather3A_265, %shift_left3A_267 : vector<16xi32>
      %bitcast3A_269 = vector.bitcast %shift_left3A_268 : vector<16xi32> to vector<16xf32>
      %and3A_270 = arith.andi %gather3A_265, %broadcast_in_dim3A_12 : vector<16xi32>
      %bitcast3A_271 = vector.bitcast %and3A_270 : vector<16xi32> to vector<16xf32>
      %add3A_272 = arith.addf %scan3A_170, %bitcast3A_269 : vector<16xf32>
      %add3A_273 = arith.addf %scan3A_171, %bitcast3A_271 : vector<16xf32>
      %mul3A_274 = arith.constant 128 : i32
      %mul3A_275 = arith.muli %scan3A_157, %mul3A_274 : i32
      %add3A_276 = arith.constant 112 : i32
      %add3A_277 = arith.addi %mul3A_275, %add3A_276 : i32
      %get3A_278 = arith.index_cast %add3A_277 : i32 to index
      %get3A_279 = tpu.vector_load %arg8[%get3A_278] {strides = array<i32>} : memref<6400xi32, #tpu.memory_space<vmem>>, vector<16xi32>,
      %gather3A_280 = tpu.vector_load_idx %arg5[%get3A_279] : memref<100096xi32, #tpu.memory_space<vmem>>[vector<16xi32>], vector<16xi32>,
      %shift_left3A_281 = arith.constant 16 : i32
      %shift_left3A_282 = vector.broadcast %shift_left3A_281 : i32 to vector<16xi32>
      %shift_left3A_283 = arith.shli %gather3A_280, %shift_left3A_282 : vector<16xi32>
      %bitcast3A_284 = vector.bitcast %shift_left3A_283 : vector<16xi32> to vector<16xf32>
      %and3A_285 = arith.andi %gather3A_280, %broadcast_in_dim3A_12 : vector<16xi32>
      %bitcast3A_286 = vector.bitcast %and3A_285 : vector<16xi32> to vector<16xf32>
      %add3A_287 = arith.addf %scan3A_172, %bitcast3A_284 : vector<16xf32>
      %add3A_288 = arith.addf %scan3A_173, %bitcast3A_286 : vector<16xf32>
      %scan3A_289 = arith.constant 1 : i32
      %scan3A_290 = arith.addi %scan3A_157, %scan3A_289 : i32
      %mul3A_291 = arith.constant 128 : i32
      %mul3A_292 = arith.muli %scan3A_290, %mul3A_291 : i32
      %add3A_293 = arith.constant 0 : i32
      %add3A_294 = arith.addi %mul3A_292, %add3A_293 : i32
      %get3A_295 = arith.index_cast %add3A_294 : i32 to index
      %get3A_296 = tpu.vector_load %arg8[%get3A_295] {strides = array<i32>} : memref<6400xi32, #tpu.memory_space<vmem>>, vector<16xi32>,
      %gather3A_297 = tpu.vector_load_idx %arg5[%get3A_296] : memref<100096xi32, #tpu.memory_space<vmem>>[vector<16xi32>], vector<16xi32>,
      %shift_left3A_298 = arith.constant 16 : i32
      %shift_left3A_299 = vector.broadcast %shift_left3A_298 : i32 to vector<16xi32>
      %shift_left3A_300 = arith.shli %gather3A_297, %shift_left3A_299 : vector<16xi32>
      %bitcast3A_301 = vector.bitcast %shift_left3A_300 : vector<16xi32> to vector<16xf32>
      %and3A_302 = arith.andi %gather3A_297, %broadcast_in_dim3A_12 : vector<16xi32>
      %bitcast3A_303 = vector.bitcast %and3A_302 : vector<16xi32> to vector<16xf32>
      %add3A_304 = arith.addf %add3A_182, %bitcast3A_301 : vector<16xf32>
      %add3A_305 = arith.addf %add3A_183, %bitcast3A_303 : vector<16xf32>
      %mul3A_306 = arith.constant 128 : i32
      %mul3A_307 = arith.muli %scan3A_290, %mul3A_306 : i32
      %add3A_308 = arith.constant 16 : i32
      %add3A_309 = arith.addi %mul3A_307, %add3A_308 : i32
      %get3A_310 = arith.index_cast %add3A_309 : i32 to index
      %get3A_311 = tpu.vector_load %arg8[%get3A_310] {strides = array<i32>} : memref<6400xi32, #tpu.memory_space<vmem>>, vector<16xi32>,
      %gather3A_312 = tpu.vector_load_idx %arg5[%get3A_311] : memref<100096xi32, #tpu.memory_space<vmem>>[vector<16xi32>], vector<16xi32>,
      %shift_left3A_313 = arith.constant 16 : i32
      %shift_left3A_314 = vector.broadcast %shift_left3A_313 : i32 to vector<16xi32>
      %shift_left3A_315 = arith.shli %gather3A_312, %shift_left3A_314 : vector<16xi32>
      %bitcast3A_316 = vector.bitcast %shift_left3A_315 : vector<16xi32> to vector<16xf32>
      %and3A_317 = arith.andi %gather3A_312, %broadcast_in_dim3A_12 : vector<16xi32>
      %bitcast3A_318 = vector.bitcast %and3A_317 : vector<16xi32> to vector<16xf32>
      %add3A_319 = arith.addf %add3A_197, %bitcast3A_316 : vector<16xf32>
      %add3A_320 = arith.addf %add3A_198, %bitcast3A_318 : vector<16xf32>
      %mul3A_321 = arith.constant 128 : i32
      %mul3A_322 = arith.muli %scan3A_290, %mul3A_321 : i32
      %add3A_323 = arith.constant 32 : i32
      %add3A_324 = arith.addi %mul3A_322, %add3A_323 : i32
      %get3A_325 = arith.index_cast %add3A_324 : i32 to index
      %get3A_326 = tpu.vector_load %arg8[%get3A_325] {strides = array<i32>} : memref<6400xi32, #tpu.memory_space<vmem>>, vector<16xi32>,
      %gather3A_327 = tpu.vector_load_idx %arg5[%get3A_326] : memref<100096xi32, #tpu.memory_space<vmem>>[vector<16xi32>], vector<16xi32>,
      %shift_left3A_328 = arith.constant 16 : i32
      %shift_left3A_329 = vector.broadcast %shift_left3A_328 : i32 to vector<16xi32>
      %shift_left3A_330 = arith.shli %gather3A_327, %shift_left3A_329 : vector<16xi32>
      %bitcast3A_331 = vector.bitcast %shift_left3A_330 : vector<16xi32> to vector<16xf32>
      %and3A_332 = arith.andi %gather3A_327, %broadcast_in_dim3A_12 : vector<16xi32>
      %bitcast3A_333 = vector.bitcast %and3A_332 : vector<16xi32> to vector<16xf32>
      %add3A_334 = arith.addf %add3A_212, %bitcast3A_331 : vector<16xf32>
      %add3A_335 = arith.addf %add3A_213, %bitcast3A_333 : vector<16xf32>
      %mul3A_336 = arith.constant 128 : i32
      %mul3A_337 = arith.muli %scan3A_290, %mul3A_336 : i32
      %add3A_338 = arith.constant 48 : i32
      %add3A_339 = arith.addi %mul3A_337, %add3A_338 : i32
      %get3A_340 = arith.index_cast %add3A_339 : i32 to index
      %get3A_341 = tpu.vector_load %arg8[%get3A_340] {strides = array<i32>} : memref<6400xi32, #tpu.memory_space<vmem>>, vector<16xi32>,
      %gather3A_342 = tpu.vector_load_idx %arg5[%get3A_341] : memref<100096xi32, #tpu.memory_space<vmem>>[vector<16xi32>], vector<16xi32>,
      %shift_left3A_343 = arith.constant 16 : i32
      %shift_left3A_344 = vector.broadcast %shift_left3A_343 : i32 to vector<16xi32>
      %shift_left3A_345 = arith.shli %gather3A_342, %shift_left3A_344 : vector<16xi32>
      %bitcast3A_346 = vector.bitcast %shift_left3A_345 : vector<16xi32> to vector<16xf32>
      %and3A_347 = arith.andi %gather3A_342, %broadcast_in_dim3A_12 : vector<16xi32>
      %bitcast3A_348 = vector.bitcast %and3A_347 : vector<16xi32> to vector<16xf32>
      %add3A_349 = arith.addf %add3A_227, %bitcast3A_346 : vector<16xf32>
      %add3A_350 = arith.addf %add3A_228, %bitcast3A_348 : vector<16xf32>
      %mul3A_351 = arith.constant 128 : i32
      %mul3A_352 = arith.muli %scan3A_290, %mul3A_351 : i32
      %add3A_353 = arith.constant 64 : i32
      %add3A_354 = arith.addi %mul3A_352, %add3A_353 : i32
      %get3A_355 = arith.index_cast %add3A_354 : i32 to index
      %get3A_356 = tpu.vector_load %arg8[%get3A_355] {strides = array<i32>} : memref<6400xi32, #tpu.memory_space<vmem>>, vector<16xi32>,
      %gather3A_357 = tpu.vector_load_idx %arg5[%get3A_356] : memref<100096xi32, #tpu.memory_space<vmem>>[vector<16xi32>], vector<16xi32>,
      %shift_left3A_358 = arith.constant 16 : i32
      %shift_left3A_359 = vector.broadcast %shift_left3A_358 : i32 to vector<16xi32>
      %shift_left3A_360 = arith.shli %gather3A_357, %shift_left3A_359 : vector<16xi32>
      %bitcast3A_361 = vector.bitcast %shift_left3A_360 : vector<16xi32> to vector<16xf32>
      %and3A_362 = arith.andi %gather3A_357, %broadcast_in_dim3A_12 : vector<16xi32>
      %bitcast3A_363 = vector.bitcast %and3A_362 : vector<16xi32> to vector<16xf32>
      %add3A_364 = arith.addf %add3A_242, %bitcast3A_361 : vector<16xf32>
      %add3A_365 = arith.addf %add3A_243, %bitcast3A_363 : vector<16xf32>
      %mul3A_366 = arith.constant 128 : i32
      %mul3A_367 = arith.muli %scan3A_290, %mul3A_366 : i32
      %add3A_368 = arith.constant 80 : i32
      %add3A_369 = arith.addi %mul3A_367, %add3A_368 : i32
      %get3A_370 = arith.index_cast %add3A_369 : i32 to index
      %get3A_371 = tpu.vector_load %arg8[%get3A_370] {strides = array<i32>} : memref<6400xi32, #tpu.memory_space<vmem>>, vector<16xi32>,
      %gather3A_372 = tpu.vector_load_idx %arg5[%get3A_371] : memref<100096xi32, #tpu.memory_space<vmem>>[vector<16xi32>], vector<16xi32>,
      %shift_left3A_373 = arith.constant 16 : i32
      %shift_left3A_374 = vector.broadcast %shift_left3A_373 : i32 to vector<16xi32>
      %shift_left3A_375 = arith.shli %gather3A_372, %shift_left3A_374 : vector<16xi32>
      %bitcast3A_376 = vector.bitcast %shift_left3A_375 : vector<16xi32> to vector<16xf32>
      %and3A_377 = arith.andi %gather3A_372, %broadcast_in_dim3A_12 : vector<16xi32>
      %bitcast3A_378 = vector.bitcast %and3A_377 : vector<16xi32> to vector<16xf32>
      %add3A_379 = arith.addf %add3A_257, %bitcast3A_376 : vector<16xf32>
      %add3A_380 = arith.addf %add3A_258, %bitcast3A_378 : vector<16xf32>
      %mul3A_381 = arith.constant 128 : i32
      %mul3A_382 = arith.muli %scan3A_290, %mul3A_381 : i32
      %add3A_383 = arith.constant 96 : i32
      %add3A_384 = arith.addi %mul3A_382, %add3A_383 : i32
      %get3A_385 = arith.index_cast %add3A_384 : i32 to index
      %get3A_386 = tpu.vector_load %arg8[%get3A_385] {strides = array<i32>} : memref<6400xi32, #tpu.memory_space<vmem>>, vector<16xi32>,
      %gather3A_387 = tpu.vector_load_idx %arg5[%get3A_386] : memref<100096xi32, #tpu.memory_space<vmem>>[vector<16xi32>], vector<16xi32>,
      %shift_left3A_388 = arith.constant 16 : i32
      %shift_left3A_389 = vector.broadcast %shift_left3A_388 : i32 to vector<16xi32>
      %shift_left3A_390 = arith.shli %gather3A_387, %shift_left3A_389 : vector<16xi32>
      %bitcast3A_391 = vector.bitcast %shift_left3A_390 : vector<16xi32> to vector<16xf32>
      %and3A_392 = arith.andi %gather3A_387, %broadcast_in_dim3A_12 : vector<16xi32>
      %bitcast3A_393 = vector.bitcast %and3A_392 : vector<16xi32> to vector<16xf32>
      %add3A_394 = arith.addf %add3A_272, %bitcast3A_391 : vector<16xf32>
      %add3A_395 = arith.addf %add3A_273, %bitcast3A_393 : vector<16xf32>
      %mul3A_396 = arith.constant 128 : i32
      %mul3A_397 = arith.muli %scan3A_290, %mul3A_396 : i32
      %add3A_398 = arith.constant 112 : i32
      %add3A_399 = arith.addi %mul3A_397, %add3A_398 : i32
      %get3A_400 = arith.index_cast %add3A_399 : i32 to index
      %get3A_401 = tpu.vector_load %arg8[%get3A_400] {strides = array<i32>} : memref<6400xi32, #tpu.memory_space<vmem>>, vector<16xi32>,
      %gather3A_402 = tpu.vector_load_idx %arg5[%get3A_401] : memref<100096xi32, #tpu.memory_space<vmem>>[vector<16xi32>], vector<16xi32>,
      %shift_left3A_403 = arith.constant 16 : i32
      %shift_left3A_404 = vector.broadcast %shift_left3A_403 : i32 to vector<16xi32>
      %shift_left3A_405 = arith.shli %gather3A_402, %shift_left3A_404 : vector<16xi32>
      %bitcast3A_406 = vector.bitcast %shift_left3A_405 : vector<16xi32> to vector<16xf32>
      %and3A_407 = arith.andi %gather3A_402, %broadcast_in_dim3A_12 : vector<16xi32>
      %bitcast3A_408 = vector.bitcast %and3A_407 : vector<16xi32> to vector<16xf32>
      %add3A_409 = arith.addf %add3A_287, %bitcast3A_406 : vector<16xf32>
      %add3A_410 = arith.addf %add3A_288, %bitcast3A_408 : vector<16xf32>
      scf.yield %add3A_304, %add3A_305, %add3A_319, %add3A_320, %add3A_334, %add3A_335, %add3A_349, %add3A_350, %add3A_364, %add3A_365, %add3A_379, %add3A_380, %add3A_394, %add3A_395, %add3A_409, %add3A_410 : vector<16xf32>, vector<16xf32>, vector<16xf32>, vector<16xf32>, vector<16xf32>, vector<16xf32>, vector<16xf32>, vector<16xf32>, vector<16xf32>, vector<16xf32>, vector<16xf32>, vector<16xf32>, vector<16xf32>, vector<16xf32>, vector<16xf32>, vector<16xf32>
    }
    %scan3A_46 = arith.constant 50 : i32
    %dma_start3A_47 = arith.constant 19200 : i32
    %dma_start3A_48 = tpu.memref_slice %arg3[%add3A, %dma_start3A_47] : memref<32x25600xi32, #tpu.memory_space<hbm>> -> memref<1x6400xi32, #tpu.memory_space<hbm>>
    %dma_start3A_49 = tpu.memref_squeeze %dma_start3A_48 : memref<1x6400xi32, #tpu.memory_space<hbm>> -> memref<6400xi32, #tpu.memory_space<hbm>>
    %dma_start3A_50 = arith.constant 19200 : i32
    %dma_start3A_51 = tpu.memref_slice %arg3[%add3A, %dma_start3A_50] : memref<32x25600xi32, #tpu.memory_space<hbm>> -> memref<1x6400xi32, #tpu.memory_space<hbm>>
    %dma_start3A_52 = tpu.memref_squeeze %dma_start3A_51 : memref<1x6400xi32, #tpu.memory_space<hbm>> -> memref<6400xi32, #tpu.memory_space<hbm>>
    tpu.enqueue_dma source(%dma_start3A_52 : memref<6400xi32, #tpu.memory_space<hbm>>) target(%arg8 : memref<6400xi32, #tpu.memory_space<vmem>>) target_semaphore(%arg13 : memref<!tpu.dma_semaphore, #tpu.memory_space<semaphore_mem>>)
    %dma_wait3A_53 = arith.constant 12800 : i32
    %dma_wait3A_54 = tpu.memref_slice %arg3[%add3A, %dma_wait3A_53] : memref<32x25600xi32, #tpu.memory_space<hbm>> -> memref<1x6400xi32, #tpu.memory_space<hbm>>
    %dma_wait3A_55 = tpu.memref_squeeze %dma_wait3A_54 : memref<1x6400xi32, #tpu.memory_space<hbm>> -> memref<6400xi32, #tpu.memory_space<hbm>>
    %dma_wait3A_56 = arith.constant 12800 : i32
    %dma_wait3A_57 = tpu.memref_slice %arg3[%add3A, %dma_wait3A_56] : memref<32x25600xi32, #tpu.memory_space<hbm>> -> memref<1x6400xi32, #tpu.memory_space<hbm>>
    %dma_wait3A_58 = tpu.memref_squeeze %dma_wait3A_57 : memref<1x6400xi32, #tpu.memory_space<hbm>> -> memref<6400xi32, #tpu.memory_space<hbm>>
    tpu.wait_dma2 semaphore(%arg12 : memref<!tpu.dma_semaphore, #tpu.memory_space<semaphore_mem>>) src(%dma_wait3A_58 : memref<6400xi32, #tpu.memory_space<hbm>>) dst(%arg7 : memref<6400xi32, #tpu.memory_space<vmem>>)
    %scan3A_59 = arith.constant 0 : i32
    %scan3A_60 = arith.constant 50 : i32
    %scan3A_61 = arith.addi %scan3A_59, %scan3A_60 : i32
    %scan3A_62 = arith.constant 2 : i32
    %scan3A_63:16 = scf.for %scan3A_157 = %scan3A_59 to %scan3A_61 step %scan3A_62 iter_args(%scan3A_158 = %scan3A_45#0, %scan3A_159 = %scan3A_45#1, %scan3A_160 = %scan3A_45#2, %scan3A_161 = %scan3A_45#3, %scan3A_162 = %scan3A_45#4, %scan3A_163 = %scan3A_45#5, %scan3A_164 = %scan3A_45#6, %scan3A_165 = %scan3A_45#7, %scan3A_166 = %scan3A_45#8, %scan3A_167 = %scan3A_45#9, %scan3A_168 = %scan3A_45#10, %scan3A_169 = %scan3A_45#11, %scan3A_170 = %scan3A_45#12, %scan3A_171 = %scan3A_45#13, %scan3A_172 = %scan3A_45#14, %scan3A_173 = %scan3A_45#15) -> (vector<16xf32>, vector<16xf32>, vector<16xf32>, vector<16xf32>, vector<16xf32>, vector<16xf32>, vector<16xf32>, vector<16xf32>, vector<16xf32>, vector<16xf32>, vector<16xf32>, vector<16xf32>, vector<16xf32>, vector<16xf32>, vector<16xf32>, vector<16xf32>)  : i32 {
      %mul3A_174 = arith.constant 128 : i32
      %mul3A_175 = arith.muli %scan3A_157, %mul3A_174 : i32
      %add3A_176 = arith.constant 0 : i32
      %add3A_177 = arith.addi %mul3A_175, %add3A_176 : i32
      %get3A = arith.index_cast %add3A_177 : i32 to index
      %get3A_178 = tpu.vector_load %arg7[%get3A] {strides = array<i32>} : memref<6400xi32, #tpu.memory_space<vmem>>, vector<16xi32>,
      %gather3A = tpu.vector_load_idx %arg5[%get3A_178] : memref<100096xi32, #tpu.memory_space<vmem>>[vector<16xi32>], vector<16xi32>,
      %shift_left3A = arith.constant 16 : i32
      %shift_left3A_179 = vector.broadcast %shift_left3A : i32 to vector<16xi32>
      %shift_left3A_180 = arith.shli %gather3A, %shift_left3A_179 : vector<16xi32>
      %bitcast3A = vector.bitcast %shift_left3A_180 : vector<16xi32> to vector<16xf32>
      %and3A = arith.andi %gather3A, %broadcast_in_dim3A_12 : vector<16xi32>
      %bitcast3A_181 = vector.bitcast %and3A : vector<16xi32> to vector<16xf32>
      %add3A_182 = arith.addf %scan3A_158, %bitcast3A : vector<16xf32>
      %add3A_183 = arith.addf %scan3A_159, %bitcast3A_181 : vector<16xf32>
      %mul3A_184 = arith.constant 128 : i32
      %mul3A_185 = arith.muli %scan3A_157, %mul3A_184 : i32
      %add3A_186 = arith.constant 16 : i32
      %add3A_187 = arith.addi %mul3A_185, %add3A_186 : i32
      %get3A_188 = arith.index_cast %add3A_187 : i32 to index
      %get3A_189 = tpu.vector_load %arg7[%get3A_188] {strides = array<i32>} : memref<6400xi32, #tpu.memory_space<vmem>>, vector<16xi32>,
      %gather3A_190 = tpu.vector_load_idx %arg5[%get3A_189] : memref<100096xi32, #tpu.memory_space<vmem>>[vector<16xi32>], vector<16xi32>,
      %shift_left3A_191 = arith.constant 16 : i32
      %shift_left3A_192 = vector.broadcast %shift_left3A_191 : i32 to vector<16xi32>
      %shift_left3A_193 = arith.shli %gather3A_190, %shift_left3A_192 : vector<16xi32>
      %bitcast3A_194 = vector.bitcast %shift_left3A_193 : vector<16xi32> to vector<16xf32>
      %and3A_195 = arith.andi %gather3A_190, %broadcast_in_dim3A_12 : vector<16xi32>
      %bitcast3A_196 = vector.bitcast %and3A_195 : vector<16xi32> to vector<16xf32>
      %add3A_197 = arith.addf %scan3A_160, %bitcast3A_194 : vector<16xf32>
      %add3A_198 = arith.addf %scan3A_161, %bitcast3A_196 : vector<16xf32>
      %mul3A_199 = arith.constant 128 : i32
      %mul3A_200 = arith.muli %scan3A_157, %mul3A_199 : i32
      %add3A_201 = arith.constant 32 : i32
      %add3A_202 = arith.addi %mul3A_200, %add3A_201 : i32
      %get3A_203 = arith.index_cast %add3A_202 : i32 to index
      %get3A_204 = tpu.vector_load %arg7[%get3A_203] {strides = array<i32>} : memref<6400xi32, #tpu.memory_space<vmem>>, vector<16xi32>,
      %gather3A_205 = tpu.vector_load_idx %arg5[%get3A_204] : memref<100096xi32, #tpu.memory_space<vmem>>[vector<16xi32>], vector<16xi32>,
      %shift_left3A_206 = arith.constant 16 : i32
      %shift_left3A_207 = vector.broadcast %shift_left3A_206 : i32 to vector<16xi32>
      %shift_left3A_208 = arith.shli %gather3A_205, %shift_left3A_207 : vector<16xi32>
      %bitcast3A_209 = vector.bitcast %shift_left3A_208 : vector<16xi32> to vector<16xf32>
      %and3A_210 = arith.andi %gather3A_205, %broadcast_in_dim3A_12 : vector<16xi32>
      %bitcast3A_211 = vector.bitcast %and3A_210 : vector<16xi32> to vector<16xf32>
      %add3A_212 = arith.addf %scan3A_162, %bitcast3A_209 : vector<16xf32>
      %add3A_213 = arith.addf %scan3A_163, %bitcast3A_211 : vector<16xf32>
      %mul3A_214 = arith.constant 128 : i32
      %mul3A_215 = arith.muli %scan3A_157, %mul3A_214 : i32
      %add3A_216 = arith.constant 48 : i32
      %add3A_217 = arith.addi %mul3A_215, %add3A_216 : i32
      %get3A_218 = arith.index_cast %add3A_217 : i32 to index
      %get3A_219 = tpu.vector_load %arg7[%get3A_218] {strides = array<i32>} : memref<6400xi32, #tpu.memory_space<vmem>>, vector<16xi32>,
      %gather3A_220 = tpu.vector_load_idx %arg5[%get3A_219] : memref<100096xi32, #tpu.memory_space<vmem>>[vector<16xi32>], vector<16xi32>,
      %shift_left3A_221 = arith.constant 16 : i32
      %shift_left3A_222 = vector.broadcast %shift_left3A_221 : i32 to vector<16xi32>
      %shift_left3A_223 = arith.shli %gather3A_220, %shift_left3A_222 : vector<16xi32>
      %bitcast3A_224 = vector.bitcast %shift_left3A_223 : vector<16xi32> to vector<16xf32>
      %and3A_225 = arith.andi %gather3A_220, %broadcast_in_dim3A_12 : vector<16xi32>
      %bitcast3A_226 = vector.bitcast %and3A_225 : vector<16xi32> to vector<16xf32>
      %add3A_227 = arith.addf %scan3A_164, %bitcast3A_224 : vector<16xf32>
      %add3A_228 = arith.addf %scan3A_165, %bitcast3A_226 : vector<16xf32>
      %mul3A_229 = arith.constant 128 : i32
      %mul3A_230 = arith.muli %scan3A_157, %mul3A_229 : i32
      %add3A_231 = arith.constant 64 : i32
      %add3A_232 = arith.addi %mul3A_230, %add3A_231 : i32
      %get3A_233 = arith.index_cast %add3A_232 : i32 to index
      %get3A_234 = tpu.vector_load %arg7[%get3A_233] {strides = array<i32>} : memref<6400xi32, #tpu.memory_space<vmem>>, vector<16xi32>,
      %gather3A_235 = tpu.vector_load_idx %arg5[%get3A_234] : memref<100096xi32, #tpu.memory_space<vmem>>[vector<16xi32>], vector<16xi32>,
      %shift_left3A_236 = arith.constant 16 : i32
      %shift_left3A_237 = vector.broadcast %shift_left3A_236 : i32 to vector<16xi32>
      %shift_left3A_238 = arith.shli %gather3A_235, %shift_left3A_237 : vector<16xi32>
      %bitcast3A_239 = vector.bitcast %shift_left3A_238 : vector<16xi32> to vector<16xf32>
      %and3A_240 = arith.andi %gather3A_235, %broadcast_in_dim3A_12 : vector<16xi32>
      %bitcast3A_241 = vector.bitcast %and3A_240 : vector<16xi32> to vector<16xf32>
      %add3A_242 = arith.addf %scan3A_166, %bitcast3A_239 : vector<16xf32>
      %add3A_243 = arith.addf %scan3A_167, %bitcast3A_241 : vector<16xf32>
      %mul3A_244 = arith.constant 128 : i32
      %mul3A_245 = arith.muli %scan3A_157, %mul3A_244 : i32
      %add3A_246 = arith.constant 80 : i32
      %add3A_247 = arith.addi %mul3A_245, %add3A_246 : i32
      %get3A_248 = arith.index_cast %add3A_247 : i32 to index
      %get3A_249 = tpu.vector_load %arg7[%get3A_248] {strides = array<i32>} : memref<6400xi32, #tpu.memory_space<vmem>>, vector<16xi32>,
      %gather3A_250 = tpu.vector_load_idx %arg5[%get3A_249] : memref<100096xi32, #tpu.memory_space<vmem>>[vector<16xi32>], vector<16xi32>,
      %shift_left3A_251 = arith.constant 16 : i32
      %shift_left3A_252 = vector.broadcast %shift_left3A_251 : i32 to vector<16xi32>
      %shift_left3A_253 = arith.shli %gather3A_250, %shift_left3A_252 : vector<16xi32>
      %bitcast3A_254 = vector.bitcast %shift_left3A_253 : vector<16xi32> to vector<16xf32>
      %and3A_255 = arith.andi %gather3A_250, %broadcast_in_dim3A_12 : vector<16xi32>
      %bitcast3A_256 = vector.bitcast %and3A_255 : vector<16xi32> to vector<16xf32>
      %add3A_257 = arith.addf %scan3A_168, %bitcast3A_254 : vector<16xf32>
      %add3A_258 = arith.addf %scan3A_169, %bitcast3A_256 : vector<16xf32>
      %mul3A_259 = arith.constant 128 : i32
      %mul3A_260 = arith.muli %scan3A_157, %mul3A_259 : i32
      %add3A_261 = arith.constant 96 : i32
      %add3A_262 = arith.addi %mul3A_260, %add3A_261 : i32
      %get3A_263 = arith.index_cast %add3A_262 : i32 to index
      %get3A_264 = tpu.vector_load %arg7[%get3A_263] {strides = array<i32>} : memref<6400xi32, #tpu.memory_space<vmem>>, vector<16xi32>,
      %gather3A_265 = tpu.vector_load_idx %arg5[%get3A_264] : memref<100096xi32, #tpu.memory_space<vmem>>[vector<16xi32>], vector<16xi32>,
      %shift_left3A_266 = arith.constant 16 : i32
      %shift_left3A_267 = vector.broadcast %shift_left3A_266 : i32 to vector<16xi32>
      %shift_left3A_268 = arith.shli %gather3A_265, %shift_left3A_267 : vector<16xi32>
      %bitcast3A_269 = vector.bitcast %shift_left3A_268 : vector<16xi32> to vector<16xf32>
      %and3A_270 = arith.andi %gather3A_265, %broadcast_in_dim3A_12 : vector<16xi32>
      %bitcast3A_271 = vector.bitcast %and3A_270 : vector<16xi32> to vector<16xf32>
      %add3A_272 = arith.addf %scan3A_170, %bitcast3A_269 : vector<16xf32>
      %add3A_273 = arith.addf %scan3A_171, %bitcast3A_271 : vector<16xf32>
      %mul3A_274 = arith.constant 128 : i32
      %mul3A_275 = arith.muli %scan3A_157, %mul3A_274 : i32
      %add3A_276 = arith.constant 112 : i32
      %add3A_277 = arith.addi %mul3A_275, %add3A_276 : i32
      %get3A_278 = arith.index_cast %add3A_277 : i32 to index
      %get3A_279 = tpu.vector_load %arg7[%get3A_278] {strides = array<i32>} : memref<6400xi32, #tpu.memory_space<vmem>>, vector<16xi32>,
      %gather3A_280 = tpu.vector_load_idx %arg5[%get3A_279] : memref<100096xi32, #tpu.memory_space<vmem>>[vector<16xi32>], vector<16xi32>,
      %shift_left3A_281 = arith.constant 16 : i32
      %shift_left3A_282 = vector.broadcast %shift_left3A_281 : i32 to vector<16xi32>
      %shift_left3A_283 = arith.shli %gather3A_280, %shift_left3A_282 : vector<16xi32>
      %bitcast3A_284 = vector.bitcast %shift_left3A_283 : vector<16xi32> to vector<16xf32>
      %and3A_285 = arith.andi %gather3A_280, %broadcast_in_dim3A_12 : vector<16xi32>
      %bitcast3A_286 = vector.bitcast %and3A_285 : vector<16xi32> to vector<16xf32>
      %add3A_287 = arith.addf %scan3A_172, %bitcast3A_284 : vector<16xf32>
      %add3A_288 = arith.addf %scan3A_173, %bitcast3A_286 : vector<16xf32>
      %scan3A_289 = arith.constant 1 : i32
      %scan3A_290 = arith.addi %scan3A_157, %scan3A_289 : i32
      %mul3A_291 = arith.constant 128 : i32
      %mul3A_292 = arith.muli %scan3A_290, %mul3A_291 : i32
      %add3A_293 = arith.constant 0 : i32
      %add3A_294 = arith.addi %mul3A_292, %add3A_293 : i32
      %get3A_295 = arith.index_cast %add3A_294 : i32 to index
      %get3A_296 = tpu.vector_load %arg7[%get3A_295] {strides = array<i32>} : memref<6400xi32, #tpu.memory_space<vmem>>, vector<16xi32>,
      %gather3A_297 = tpu.vector_load_idx %arg5[%get3A_296] : memref<100096xi32, #tpu.memory_space<vmem>>[vector<16xi32>], vector<16xi32>,
      %shift_left3A_298 = arith.constant 16 : i32
      %shift_left3A_299 = vector.broadcast %shift_left3A_298 : i32 to vector<16xi32>
      %shift_left3A_300 = arith.shli %gather3A_297, %shift_left3A_299 : vector<16xi32>
      %bitcast3A_301 = vector.bitcast %shift_left3A_300 : vector<16xi32> to vector<16xf32>
      %and3A_302 = arith.andi %gather3A_297, %broadcast_in_dim3A_12 : vector<16xi32>
      %bitcast3A_303 = vector.bitcast %and3A_302 : vector<16xi32> to vector<16xf32>
      %add3A_304 = arith.addf %add3A_182, %bitcast3A_301 : vector<16xf32>
      %add3A_305 = arith.addf %add3A_183, %bitcast3A_303 : vector<16xf32>
      %mul3A_306 = arith.constant 128 : i32
      %mul3A_307 = arith.muli %scan3A_290, %mul3A_306 : i32
      %add3A_308 = arith.constant 16 : i32
      %add3A_309 = arith.addi %mul3A_307, %add3A_308 : i32
      %get3A_310 = arith.index_cast %add3A_309 : i32 to index
      %get3A_311 = tpu.vector_load %arg7[%get3A_310] {strides = array<i32>} : memref<6400xi32, #tpu.memory_space<vmem>>, vector<16xi32>,
      %gather3A_312 = tpu.vector_load_idx %arg5[%get3A_311] : memref<100096xi32, #tpu.memory_space<vmem>>[vector<16xi32>], vector<16xi32>,
      %shift_left3A_313 = arith.constant 16 : i32
      %shift_left3A_314 = vector.broadcast %shift_left3A_313 : i32 to vector<16xi32>
      %shift_left3A_315 = arith.shli %gather3A_312, %shift_left3A_314 : vector<16xi32>
      %bitcast3A_316 = vector.bitcast %shift_left3A_315 : vector<16xi32> to vector<16xf32>
      %and3A_317 = arith.andi %gather3A_312, %broadcast_in_dim3A_12 : vector<16xi32>
      %bitcast3A_318 = vector.bitcast %and3A_317 : vector<16xi32> to vector<16xf32>
      %add3A_319 = arith.addf %add3A_197, %bitcast3A_316 : vector<16xf32>
      %add3A_320 = arith.addf %add3A_198, %bitcast3A_318 : vector<16xf32>
      %mul3A_321 = arith.constant 128 : i32
      %mul3A_322 = arith.muli %scan3A_290, %mul3A_321 : i32
      %add3A_323 = arith.constant 32 : i32
      %add3A_324 = arith.addi %mul3A_322, %add3A_323 : i32
      %get3A_325 = arith.index_cast %add3A_324 : i32 to index
      %get3A_326 = tpu.vector_load %arg7[%get3A_325] {strides = array<i32>} : memref<6400xi32, #tpu.memory_space<vmem>>, vector<16xi32>,
      %gather3A_327 = tpu.vector_load_idx %arg5[%get3A_326] : memref<100096xi32, #tpu.memory_space<vmem>>[vector<16xi32>], vector<16xi32>,
      %shift_left3A_328 = arith.constant 16 : i32
      %shift_left3A_329 = vector.broadcast %shift_left3A_328 : i32 to vector<16xi32>
      %shift_left3A_330 = arith.shli %gather3A_327, %shift_left3A_329 : vector<16xi32>
      %bitcast3A_331 = vector.bitcast %shift_left3A_330 : vector<16xi32> to vector<16xf32>
      %and3A_332 = arith.andi %gather3A_327, %broadcast_in_dim3A_12 : vector<16xi32>
      %bitcast3A_333 = vector.bitcast %and3A_332 : vector<16xi32> to vector<16xf32>
      %add3A_334 = arith.addf %add3A_212, %bitcast3A_331 : vector<16xf32>
      %add3A_335 = arith.addf %add3A_213, %bitcast3A_333 : vector<16xf32>
      %mul3A_336 = arith.constant 128 : i32
      %mul3A_337 = arith.muli %scan3A_290, %mul3A_336 : i32
      %add3A_338 = arith.constant 48 : i32
      %add3A_339 = arith.addi %mul3A_337, %add3A_338 : i32
      %get3A_340 = arith.index_cast %add3A_339 : i32 to index
      %get3A_341 = tpu.vector_load %arg7[%get3A_340] {strides = array<i32>} : memref<6400xi32, #tpu.memory_space<vmem>>, vector<16xi32>,
      %gather3A_342 = tpu.vector_load_idx %arg5[%get3A_341] : memref<100096xi32, #tpu.memory_space<vmem>>[vector<16xi32>], vector<16xi32>,
      %shift_left3A_343 = arith.constant 16 : i32
      %shift_left3A_344 = vector.broadcast %shift_left3A_343 : i32 to vector<16xi32>
      %shift_left3A_345 = arith.shli %gather3A_342, %shift_left3A_344 : vector<16xi32>
      %bitcast3A_346 = vector.bitcast %shift_left3A_345 : vector<16xi32> to vector<16xf32>
      %and3A_347 = arith.andi %gather3A_342, %broadcast_in_dim3A_12 : vector<16xi32>
      %bitcast3A_348 = vector.bitcast %and3A_347 : vector<16xi32> to vector<16xf32>
      %add3A_349 = arith.addf %add3A_227, %bitcast3A_346 : vector<16xf32>
      %add3A_350 = arith.addf %add3A_228, %bitcast3A_348 : vector<16xf32>
      %mul3A_351 = arith.constant 128 : i32
      %mul3A_352 = arith.muli %scan3A_290, %mul3A_351 : i32
      %add3A_353 = arith.constant 64 : i32
      %add3A_354 = arith.addi %mul3A_352, %add3A_353 : i32
      %get3A_355 = arith.index_cast %add3A_354 : i32 to index
      %get3A_356 = tpu.vector_load %arg7[%get3A_355] {strides = array<i32>} : memref<6400xi32, #tpu.memory_space<vmem>>, vector<16xi32>,
      %gather3A_357 = tpu.vector_load_idx %arg5[%get3A_356] : memref<100096xi32, #tpu.memory_space<vmem>>[vector<16xi32>], vector<16xi32>,
      %shift_left3A_358 = arith.constant 16 : i32
      %shift_left3A_359 = vector.broadcast %shift_left3A_358 : i32 to vector<16xi32>
      %shift_left3A_360 = arith.shli %gather3A_357, %shift_left3A_359 : vector<16xi32>
      %bitcast3A_361 = vector.bitcast %shift_left3A_360 : vector<16xi32> to vector<16xf32>
      %and3A_362 = arith.andi %gather3A_357, %broadcast_in_dim3A_12 : vector<16xi32>
      %bitcast3A_363 = vector.bitcast %and3A_362 : vector<16xi32> to vector<16xf32>
      %add3A_364 = arith.addf %add3A_242, %bitcast3A_361 : vector<16xf32>
      %add3A_365 = arith.addf %add3A_243, %bitcast3A_363 : vector<16xf32>
      %mul3A_366 = arith.constant 128 : i32
      %mul3A_367 = arith.muli %scan3A_290, %mul3A_366 : i32
      %add3A_368 = arith.constant 80 : i32
      %add3A_369 = arith.addi %mul3A_367, %add3A_368 : i32
      %get3A_370 = arith.index_cast %add3A_369 : i32 to index
      %get3A_371 = tpu.vector_load %arg7[%get3A_370] {strides = array<i32>} : memref<6400xi32, #tpu.memory_space<vmem>>, vector<16xi32>,
      %gather3A_372 = tpu.vector_load_idx %arg5[%get3A_371] : memref<100096xi32, #tpu.memory_space<vmem>>[vector<16xi32>], vector<16xi32>,
      %shift_left3A_373 = arith.constant 16 : i32
      %shift_left3A_374 = vector.broadcast %shift_left3A_373 : i32 to vector<16xi32>
      %shift_left3A_375 = arith.shli %gather3A_372, %shift_left3A_374 : vector<16xi32>
      %bitcast3A_376 = vector.bitcast %shift_left3A_375 : vector<16xi32> to vector<16xf32>
      %and3A_377 = arith.andi %gather3A_372, %broadcast_in_dim3A_12 : vector<16xi32>
      %bitcast3A_378 = vector.bitcast %and3A_377 : vector<16xi32> to vector<16xf32>
      %add3A_379 = arith.addf %add3A_257, %bitcast3A_376 : vector<16xf32>
      %add3A_380 = arith.addf %add3A_258, %bitcast3A_378 : vector<16xf32>
      %mul3A_381 = arith.constant 128 : i32
      %mul3A_382 = arith.muli %scan3A_290, %mul3A_381 : i32
      %add3A_383 = arith.constant 96 : i32
      %add3A_384 = arith.addi %mul3A_382, %add3A_383 : i32
      %get3A_385 = arith.index_cast %add3A_384 : i32 to index
      %get3A_386 = tpu.vector_load %arg7[%get3A_385] {strides = array<i32>} : memref<6400xi32, #tpu.memory_space<vmem>>, vector<16xi32>,
      %gather3A_387 = tpu.vector_load_idx %arg5[%get3A_386] : memref<100096xi32, #tpu.memory_space<vmem>>[vector<16xi32>], vector<16xi32>,
      %shift_left3A_388 = arith.constant 16 : i32
      %shift_left3A_389 = vector.broadcast %shift_left3A_388 : i32 to vector<16xi32>
      %shift_left3A_390 = arith.shli %gather3A_387, %shift_left3A_389 : vector<16xi32>
      %bitcast3A_391 = vector.bitcast %shift_left3A_390 : vector<16xi32> to vector<16xf32>
      %and3A_392 = arith.andi %gather3A_387, %broadcast_in_dim3A_12 : vector<16xi32>
      %bitcast3A_393 = vector.bitcast %and3A_392 : vector<16xi32> to vector<16xf32>
      %add3A_394 = arith.addf %add3A_272, %bitcast3A_391 : vector<16xf32>
      %add3A_395 = arith.addf %add3A_273, %bitcast3A_393 : vector<16xf32>
      %mul3A_396 = arith.constant 128 : i32
      %mul3A_397 = arith.muli %scan3A_290, %mul3A_396 : i32
      %add3A_398 = arith.constant 112 : i32
      %add3A_399 = arith.addi %mul3A_397, %add3A_398 : i32
      %get3A_400 = arith.index_cast %add3A_399 : i32 to index
      %get3A_401 = tpu.vector_load %arg7[%get3A_400] {strides = array<i32>} : memref<6400xi32, #tpu.memory_space<vmem>>, vector<16xi32>,
      %gather3A_402 = tpu.vector_load_idx %arg5[%get3A_401] : memref<100096xi32, #tpu.memory_space<vmem>>[vector<16xi32>], vector<16xi32>,
      %shift_left3A_403 = arith.constant 16 : i32
      %shift_left3A_404 = vector.broadcast %shift_left3A_403 : i32 to vector<16xi32>
      %shift_left3A_405 = arith.shli %gather3A_402, %shift_left3A_404 : vector<16xi32>
      %bitcast3A_406 = vector.bitcast %shift_left3A_405 : vector<16xi32> to vector<16xf32>
      %and3A_407 = arith.andi %gather3A_402, %broadcast_in_dim3A_12 : vector<16xi32>
      %bitcast3A_408 = vector.bitcast %and3A_407 : vector<16xi32> to vector<16xf32>
      %add3A_409 = arith.addf %add3A_287, %bitcast3A_406 : vector<16xf32>
      %add3A_410 = arith.addf %add3A_288, %bitcast3A_408 : vector<16xf32>
      scf.yield %add3A_304, %add3A_305, %add3A_319, %add3A_320, %add3A_334, %add3A_335, %add3A_349, %add3A_350, %add3A_364, %add3A_365, %add3A_379, %add3A_380, %add3A_394, %add3A_395, %add3A_409, %add3A_410 : vector<16xf32>, vector<16xf32>, vector<16xf32>, vector<16xf32>, vector<16xf32>, vector<16xf32>, vector<16xf32>, vector<16xf32>, vector<16xf32>, vector<16xf32>, vector<16xf32>, vector<16xf32>, vector<16xf32>, vector<16xf32>, vector<16xf32>, vector<16xf32>
    }
    %scan3A_64 = arith.constant 50 : i32
    %dma_wait3A_65 = arith.constant 19200 : i32
    %dma_wait3A_66 = tpu.memref_slice %arg3[%add3A, %dma_wait3A_65] : memref<32x25600xi32, #tpu.memory_space<hbm>> -> memref<1x6400xi32, #tpu.memory_space<hbm>>
    %dma_wait3A_67 = tpu.memref_squeeze %dma_wait3A_66 : memref<1x6400xi32, #tpu.memory_space<hbm>> -> memref<6400xi32, #tpu.memory_space<hbm>>
    %dma_wait3A_68 = arith.constant 19200 : i32
    %dma_wait3A_69 = tpu.memref_slice %arg3[%add3A, %dma_wait3A_68] : memref<32x25600xi32, #tpu.memory_space<hbm>> -> memref<1x6400xi32, #tpu.memory_space<hbm>>
    %dma_wait3A_70 = tpu.memref_squeeze %dma_wait3A_69 : memref<1x6400xi32, #tpu.memory_space<hbm>> -> memref<6400xi32, #tpu.memory_space<hbm>>
    tpu.wait_dma2 semaphore(%arg13 : memref<!tpu.dma_semaphore, #tpu.memory_space<semaphore_mem>>) src(%dma_wait3A_70 : memref<6400xi32, #tpu.memory_space<hbm>>) dst(%arg8 : memref<6400xi32, #tpu.memory_space<vmem>>)
    %scan3A_71 = arith.constant 0 : i32
    %scan3A_72 = arith.constant 50 : i32
    %scan3A_73 = arith.addi %scan3A_71, %scan3A_72 : i32
    %scan3A_74 = arith.constant 2 : i32
    %scan3A_75:16 = scf.for %scan3A_157 = %scan3A_71 to %scan3A_73 step %scan3A_74 iter_args(%scan3A_158 = %scan3A_63#0, %scan3A_159 = %scan3A_63#1, %scan3A_160 = %scan3A_63#2, %scan3A_161 = %scan3A_63#3, %scan3A_162 = %scan3A_63#4, %scan3A_163 = %scan3A_63#5, %scan3A_164 = %scan3A_63#6, %scan3A_165 = %scan3A_63#7, %scan3A_166 = %scan3A_63#8, %scan3A_167 = %scan3A_63#9, %scan3A_168 = %scan3A_63#10, %scan3A_169 = %scan3A_63#11, %scan3A_170 = %scan3A_63#12, %scan3A_171 = %scan3A_63#13, %scan3A_172 = %scan3A_63#14, %scan3A_173 = %scan3A_63#15) -> (vector<16xf32>, vector<16xf32>, vector<16xf32>, vector<16xf32>, vector<16xf32>, vector<16xf32>, vector<16xf32>, vector<16xf32>, vector<16xf32>, vector<16xf32>, vector<16xf32>, vector<16xf32>, vector<16xf32>, vector<16xf32>, vector<16xf32>, vector<16xf32>)  : i32 {
      %mul3A_174 = arith.constant 128 : i32
      %mul3A_175 = arith.muli %scan3A_157, %mul3A_174 : i32
      %add3A_176 = arith.constant 0 : i32
      %add3A_177 = arith.addi %mul3A_175, %add3A_176 : i32
      %get3A = arith.index_cast %add3A_177 : i32 to index
      %get3A_178 = tpu.vector_load %arg8[%get3A] {strides = array<i32>} : memref<6400xi32, #tpu.memory_space<vmem>>, vector<16xi32>,
      %gather3A = tpu.vector_load_idx %arg5[%get3A_178] : memref<100096xi32, #tpu.memory_space<vmem>>[vector<16xi32>], vector<16xi32>,
      %shift_left3A = arith.constant 16 : i32
      %shift_left3A_179 = vector.broadcast %shift_left3A : i32 to vector<16xi32>
      %shift_left3A_180 = arith.shli %gather3A, %shift_left3A_179 : vector<16xi32>
      %bitcast3A = vector.bitcast %shift_left3A_180 : vector<16xi32> to vector<16xf32>
      %and3A = arith.andi %gather3A, %broadcast_in_dim3A_12 : vector<16xi32>
      %bitcast3A_181 = vector.bitcast %and3A : vector<16xi32> to vector<16xf32>
      %add3A_182 = arith.addf %scan3A_158, %bitcast3A : vector<16xf32>
      %add3A_183 = arith.addf %scan3A_159, %bitcast3A_181 : vector<16xf32>
      %mul3A_184 = arith.constant 128 : i32
      %mul3A_185 = arith.muli %scan3A_157, %mul3A_184 : i32
      %add3A_186 = arith.constant 16 : i32
      %add3A_187 = arith.addi %mul3A_185, %add3A_186 : i32
      %get3A_188 = arith.index_cast %add3A_187 : i32 to index
      %get3A_189 = tpu.vector_load %arg8[%get3A_188] {strides = array<i32>} : memref<6400xi32, #tpu.memory_space<vmem>>, vector<16xi32>,
      %gather3A_190 = tpu.vector_load_idx %arg5[%get3A_189] : memref<100096xi32, #tpu.memory_space<vmem>>[vector<16xi32>], vector<16xi32>,
      %shift_left3A_191 = arith.constant 16 : i32
      %shift_left3A_192 = vector.broadcast %shift_left3A_191 : i32 to vector<16xi32>
      %shift_left3A_193 = arith.shli %gather3A_190, %shift_left3A_192 : vector<16xi32>
      %bitcast3A_194 = vector.bitcast %shift_left3A_193 : vector<16xi32> to vector<16xf32>
      %and3A_195 = arith.andi %gather3A_190, %broadcast_in_dim3A_12 : vector<16xi32>
      %bitcast3A_196 = vector.bitcast %and3A_195 : vector<16xi32> to vector<16xf32>
      %add3A_197 = arith.addf %scan3A_160, %bitcast3A_194 : vector<16xf32>
      %add3A_198 = arith.addf %scan3A_161, %bitcast3A_196 : vector<16xf32>
      %mul3A_199 = arith.constant 128 : i32
      %mul3A_200 = arith.muli %scan3A_157, %mul3A_199 : i32
      %add3A_201 = arith.constant 32 : i32
      %add3A_202 = arith.addi %mul3A_200, %add3A_201 : i32
      %get3A_203 = arith.index_cast %add3A_202 : i32 to index
      %get3A_204 = tpu.vector_load %arg8[%get3A_203] {strides = array<i32>} : memref<6400xi32, #tpu.memory_space<vmem>>, vector<16xi32>,
      %gather3A_205 = tpu.vector_load_idx %arg5[%get3A_204] : memref<100096xi32, #tpu.memory_space<vmem>>[vector<16xi32>], vector<16xi32>,
      %shift_left3A_206 = arith.constant 16 : i32
      %shift_left3A_207 = vector.broadcast %shift_left3A_206 : i32 to vector<16xi32>
      %shift_left3A_208 = arith.shli %gather3A_205, %shift_left3A_207 : vector<16xi32>
      %bitcast3A_209 = vector.bitcast %shift_left3A_208 : vector<16xi32> to vector<16xf32>
      %and3A_210 = arith.andi %gather3A_205, %broadcast_in_dim3A_12 : vector<16xi32>
      %bitcast3A_211 = vector.bitcast %and3A_210 : vector<16xi32> to vector<16xf32>
      %add3A_212 = arith.addf %scan3A_162, %bitcast3A_209 : vector<16xf32>
      %add3A_213 = arith.addf %scan3A_163, %bitcast3A_211 : vector<16xf32>
      %mul3A_214 = arith.constant 128 : i32
      %mul3A_215 = arith.muli %scan3A_157, %mul3A_214 : i32
      %add3A_216 = arith.constant 48 : i32
      %add3A_217 = arith.addi %mul3A_215, %add3A_216 : i32
      %get3A_218 = arith.index_cast %add3A_217 : i32 to index
      %get3A_219 = tpu.vector_load %arg8[%get3A_218] {strides = array<i32>} : memref<6400xi32, #tpu.memory_space<vmem>>, vector<16xi32>,
      %gather3A_220 = tpu.vector_load_idx %arg5[%get3A_219] : memref<100096xi32, #tpu.memory_space<vmem>>[vector<16xi32>], vector<16xi32>,
      %shift_left3A_221 = arith.constant 16 : i32
      %shift_left3A_222 = vector.broadcast %shift_left3A_221 : i32 to vector<16xi32>
      %shift_left3A_223 = arith.shli %gather3A_220, %shift_left3A_222 : vector<16xi32>
      %bitcast3A_224 = vector.bitcast %shift_left3A_223 : vector<16xi32> to vector<16xf32>
      %and3A_225 = arith.andi %gather3A_220, %broadcast_in_dim3A_12 : vector<16xi32>
      %bitcast3A_226 = vector.bitcast %and3A_225 : vector<16xi32> to vector<16xf32>
      %add3A_227 = arith.addf %scan3A_164, %bitcast3A_224 : vector<16xf32>
      %add3A_228 = arith.addf %scan3A_165, %bitcast3A_226 : vector<16xf32>
      %mul3A_229 = arith.constant 128 : i32
      %mul3A_230 = arith.muli %scan3A_157, %mul3A_229 : i32
      %add3A_231 = arith.constant 64 : i32
      %add3A_232 = arith.addi %mul3A_230, %add3A_231 : i32
      %get3A_233 = arith.index_cast %add3A_232 : i32 to index
      %get3A_234 = tpu.vector_load %arg8[%get3A_233] {strides = array<i32>} : memref<6400xi32, #tpu.memory_space<vmem>>, vector<16xi32>,
      %gather3A_235 = tpu.vector_load_idx %arg5[%get3A_234] : memref<100096xi32, #tpu.memory_space<vmem>>[vector<16xi32>], vector<16xi32>,
      %shift_left3A_236 = arith.constant 16 : i32
      %shift_left3A_237 = vector.broadcast %shift_left3A_236 : i32 to vector<16xi32>
      %shift_left3A_238 = arith.shli %gather3A_235, %shift_left3A_237 : vector<16xi32>
      %bitcast3A_239 = vector.bitcast %shift_left3A_238 : vector<16xi32> to vector<16xf32>
      %and3A_240 = arith.andi %gather3A_235, %broadcast_in_dim3A_12 : vector<16xi32>
      %bitcast3A_241 = vector.bitcast %and3A_240 : vector<16xi32> to vector<16xf32>
      %add3A_242 = arith.addf %scan3A_166, %bitcast3A_239 : vector<16xf32>
      %add3A_243 = arith.addf %scan3A_167, %bitcast3A_241 : vector<16xf32>
      %mul3A_244 = arith.constant 128 : i32
      %mul3A_245 = arith.muli %scan3A_157, %mul3A_244 : i32
      %add3A_246 = arith.constant 80 : i32
      %add3A_247 = arith.addi %mul3A_245, %add3A_246 : i32
      %get3A_248 = arith.index_cast %add3A_247 : i32 to index
      %get3A_249 = tpu.vector_load %arg8[%get3A_248] {strides = array<i32>} : memref<6400xi32, #tpu.memory_space<vmem>>, vector<16xi32>,
      %gather3A_250 = tpu.vector_load_idx %arg5[%get3A_249] : memref<100096xi32, #tpu.memory_space<vmem>>[vector<16xi32>], vector<16xi32>,
      %shift_left3A_251 = arith.constant 16 : i32
      %shift_left3A_252 = vector.broadcast %shift_left3A_251 : i32 to vector<16xi32>
      %shift_left3A_253 = arith.shli %gather3A_250, %shift_left3A_252 : vector<16xi32>
      %bitcast3A_254 = vector.bitcast %shift_left3A_253 : vector<16xi32> to vector<16xf32>
      %and3A_255 = arith.andi %gather3A_250, %broadcast_in_dim3A_12 : vector<16xi32>
      %bitcast3A_256 = vector.bitcast %and3A_255 : vector<16xi32> to vector<16xf32>
      %add3A_257 = arith.addf %scan3A_168, %bitcast3A_254 : vector<16xf32>
      %add3A_258 = arith.addf %scan3A_169, %bitcast3A_256 : vector<16xf32>
      %mul3A_259 = arith.constant 128 : i32
      %mul3A_260 = arith.muli %scan3A_157, %mul3A_259 : i32
      %add3A_261 = arith.constant 96 : i32
      %add3A_262 = arith.addi %mul3A_260, %add3A_261 : i32
      %get3A_263 = arith.index_cast %add3A_262 : i32 to index
      %get3A_264 = tpu.vector_load %arg8[%get3A_263] {strides = array<i32>} : memref<6400xi32, #tpu.memory_space<vmem>>, vector<16xi32>,
      %gather3A_265 = tpu.vector_load_idx %arg5[%get3A_264] : memref<100096xi32, #tpu.memory_space<vmem>>[vector<16xi32>], vector<16xi32>,
      %shift_left3A_266 = arith.constant 16 : i32
      %shift_left3A_267 = vector.broadcast %shift_left3A_266 : i32 to vector<16xi32>
      %shift_left3A_268 = arith.shli %gather3A_265, %shift_left3A_267 : vector<16xi32>
      %bitcast3A_269 = vector.bitcast %shift_left3A_268 : vector<16xi32> to vector<16xf32>
      %and3A_270 = arith.andi %gather3A_265, %broadcast_in_dim3A_12 : vector<16xi32>
      %bitcast3A_271 = vector.bitcast %and3A_270 : vector<16xi32> to vector<16xf32>
      %add3A_272 = arith.addf %scan3A_170, %bitcast3A_269 : vector<16xf32>
      %add3A_273 = arith.addf %scan3A_171, %bitcast3A_271 : vector<16xf32>
      %mul3A_274 = arith.constant 128 : i32
      %mul3A_275 = arith.muli %scan3A_157, %mul3A_274 : i32
      %add3A_276 = arith.constant 112 : i32
      %add3A_277 = arith.addi %mul3A_275, %add3A_276 : i32
      %get3A_278 = arith.index_cast %add3A_277 : i32 to index
      %get3A_279 = tpu.vector_load %arg8[%get3A_278] {strides = array<i32>} : memref<6400xi32, #tpu.memory_space<vmem>>, vector<16xi32>,
      %gather3A_280 = tpu.vector_load_idx %arg5[%get3A_279] : memref<100096xi32, #tpu.memory_space<vmem>>[vector<16xi32>], vector<16xi32>,
      %shift_left3A_281 = arith.constant 16 : i32
      %shift_left3A_282 = vector.broadcast %shift_left3A_281 : i32 to vector<16xi32>
      %shift_left3A_283 = arith.shli %gather3A_280, %shift_left3A_282 : vector<16xi32>
      %bitcast3A_284 = vector.bitcast %shift_left3A_283 : vector<16xi32> to vector<16xf32>
      %and3A_285 = arith.andi %gather3A_280, %broadcast_in_dim3A_12 : vector<16xi32>
      %bitcast3A_286 = vector.bitcast %and3A_285 : vector<16xi32> to vector<16xf32>
      %add3A_287 = arith.addf %scan3A_172, %bitcast3A_284 : vector<16xf32>
      %add3A_288 = arith.addf %scan3A_173, %bitcast3A_286 : vector<16xf32>
      %scan3A_289 = arith.constant 1 : i32
      %scan3A_290 = arith.addi %scan3A_157, %scan3A_289 : i32
      %mul3A_291 = arith.constant 128 : i32
      %mul3A_292 = arith.muli %scan3A_290, %mul3A_291 : i32
      %add3A_293 = arith.constant 0 : i32
      %add3A_294 = arith.addi %mul3A_292, %add3A_293 : i32
      %get3A_295 = arith.index_cast %add3A_294 : i32 to index
      %get3A_296 = tpu.vector_load %arg8[%get3A_295] {strides = array<i32>} : memref<6400xi32, #tpu.memory_space<vmem>>, vector<16xi32>,
      %gather3A_297 = tpu.vector_load_idx %arg5[%get3A_296] : memref<100096xi32, #tpu.memory_space<vmem>>[vector<16xi32>], vector<16xi32>,
      %shift_left3A_298 = arith.constant 16 : i32
      %shift_left3A_299 = vector.broadcast %shift_left3A_298 : i32 to vector<16xi32>
      %shift_left3A_300 = arith.shli %gather3A_297, %shift_left3A_299 : vector<16xi32>
      %bitcast3A_301 = vector.bitcast %shift_left3A_300 : vector<16xi32> to vector<16xf32>
      %and3A_302 = arith.andi %gather3A_297, %broadcast_in_dim3A_12 : vector<16xi32>
      %bitcast3A_303 = vector.bitcast %and3A_302 : vector<16xi32> to vector<16xf32>
      %add3A_304 = arith.addf %add3A_182, %bitcast3A_301 : vector<16xf32>
      %add3A_305 = arith.addf %add3A_183, %bitcast3A_303 : vector<16xf32>
      %mul3A_306 = arith.constant 128 : i32
      %mul3A_307 = arith.muli %scan3A_290, %mul3A_306 : i32
      %add3A_308 = arith.constant 16 : i32
      %add3A_309 = arith.addi %mul3A_307, %add3A_308 : i32
      %get3A_310 = arith.index_cast %add3A_309 : i32 to index
      %get3A_311 = tpu.vector_load %arg8[%get3A_310] {strides = array<i32>} : memref<6400xi32, #tpu.memory_space<vmem>>, vector<16xi32>,
      %gather3A_312 = tpu.vector_load_idx %arg5[%get3A_311] : memref<100096xi32, #tpu.memory_space<vmem>>[vector<16xi32>], vector<16xi32>,
      %shift_left3A_313 = arith.constant 16 : i32
      %shift_left3A_314 = vector.broadcast %shift_left3A_313 : i32 to vector<16xi32>
      %shift_left3A_315 = arith.shli %gather3A_312, %shift_left3A_314 : vector<16xi32>
      %bitcast3A_316 = vector.bitcast %shift_left3A_315 : vector<16xi32> to vector<16xf32>
      %and3A_317 = arith.andi %gather3A_312, %broadcast_in_dim3A_12 : vector<16xi32>
      %bitcast3A_318 = vector.bitcast %and3A_317 : vector<16xi32> to vector<16xf32>
      %add3A_319 = arith.addf %add3A_197, %bitcast3A_316 : vector<16xf32>
      %add3A_320 = arith.addf %add3A_198, %bitcast3A_318 : vector<16xf32>
      %mul3A_321 = arith.constant 128 : i32
      %mul3A_322 = arith.muli %scan3A_290, %mul3A_321 : i32
      %add3A_323 = arith.constant 32 : i32
      %add3A_324 = arith.addi %mul3A_322, %add3A_323 : i32
      %get3A_325 = arith.index_cast %add3A_324 : i32 to index
      %get3A_326 = tpu.vector_load %arg8[%get3A_325] {strides = array<i32>} : memref<6400xi32, #tpu.memory_space<vmem>>, vector<16xi32>,
      %gather3A_327 = tpu.vector_load_idx %arg5[%get3A_326] : memref<100096xi32, #tpu.memory_space<vmem>>[vector<16xi32>], vector<16xi32>,
      %shift_left3A_328 = arith.constant 16 : i32
      %shift_left3A_329 = vector.broadcast %shift_left3A_328 : i32 to vector<16xi32>
      %shift_left3A_330 = arith.shli %gather3A_327, %shift_left3A_329 : vector<16xi32>
      %bitcast3A_331 = vector.bitcast %shift_left3A_330 : vector<16xi32> to vector<16xf32>
      %and3A_332 = arith.andi %gather3A_327, %broadcast_in_dim3A_12 : vector<16xi32>
      %bitcast3A_333 = vector.bitcast %and3A_332 : vector<16xi32> to vector<16xf32>
      %add3A_334 = arith.addf %add3A_212, %bitcast3A_331 : vector<16xf32>
      %add3A_335 = arith.addf %add3A_213, %bitcast3A_333 : vector<16xf32>
      %mul3A_336 = arith.constant 128 : i32
      %mul3A_337 = arith.muli %scan3A_290, %mul3A_336 : i32
      %add3A_338 = arith.constant 48 : i32
      %add3A_339 = arith.addi %mul3A_337, %add3A_338 : i32
      %get3A_340 = arith.index_cast %add3A_339 : i32 to index
      %get3A_341 = tpu.vector_load %arg8[%get3A_340] {strides = array<i32>} : memref<6400xi32, #tpu.memory_space<vmem>>, vector<16xi32>,
      %gather3A_342 = tpu.vector_load_idx %arg5[%get3A_341] : memref<100096xi32, #tpu.memory_space<vmem>>[vector<16xi32>], vector<16xi32>,
      %shift_left3A_343 = arith.constant 16 : i32
      %shift_left3A_344 = vector.broadcast %shift_left3A_343 : i32 to vector<16xi32>
      %shift_left3A_345 = arith.shli %gather3A_342, %shift_left3A_344 : vector<16xi32>
      %bitcast3A_346 = vector.bitcast %shift_left3A_345 : vector<16xi32> to vector<16xf32>
      %and3A_347 = arith.andi %gather3A_342, %broadcast_in_dim3A_12 : vector<16xi32>
      %bitcast3A_348 = vector.bitcast %and3A_347 : vector<16xi32> to vector<16xf32>
      %add3A_349 = arith.addf %add3A_227, %bitcast3A_346 : vector<16xf32>
      %add3A_350 = arith.addf %add3A_228, %bitcast3A_348 : vector<16xf32>
      %mul3A_351 = arith.constant 128 : i32
      %mul3A_352 = arith.muli %scan3A_290, %mul3A_351 : i32
      %add3A_353 = arith.constant 64 : i32
      %add3A_354 = arith.addi %mul3A_352, %add3A_353 : i32
      %get3A_355 = arith.index_cast %add3A_354 : i32 to index
      %get3A_356 = tpu.vector_load %arg8[%get3A_355] {strides = array<i32>} : memref<6400xi32, #tpu.memory_space<vmem>>, vector<16xi32>,
      %gather3A_357 = tpu.vector_load_idx %arg5[%get3A_356] : memref<100096xi32, #tpu.memory_space<vmem>>[vector<16xi32>], vector<16xi32>,
      %shift_left3A_358 = arith.constant 16 : i32
      %shift_left3A_359 = vector.broadcast %shift_left3A_358 : i32 to vector<16xi32>
      %shift_left3A_360 = arith.shli %gather3A_357, %shift_left3A_359 : vector<16xi32>
      %bitcast3A_361 = vector.bitcast %shift_left3A_360 : vector<16xi32> to vector<16xf32>
      %and3A_362 = arith.andi %gather3A_357, %broadcast_in_dim3A_12 : vector<16xi32>
      %bitcast3A_363 = vector.bitcast %and3A_362 : vector<16xi32> to vector<16xf32>
      %add3A_364 = arith.addf %add3A_242, %bitcast3A_361 : vector<16xf32>
      %add3A_365 = arith.addf %add3A_243, %bitcast3A_363 : vector<16xf32>
      %mul3A_366 = arith.constant 128 : i32
      %mul3A_367 = arith.muli %scan3A_290, %mul3A_366 : i32
      %add3A_368 = arith.constant 80 : i32
      %add3A_369 = arith.addi %mul3A_367, %add3A_368 : i32
      %get3A_370 = arith.index_cast %add3A_369 : i32 to index
      %get3A_371 = tpu.vector_load %arg8[%get3A_370] {strides = array<i32>} : memref<6400xi32, #tpu.memory_space<vmem>>, vector<16xi32>,
      %gather3A_372 = tpu.vector_load_idx %arg5[%get3A_371] : memref<100096xi32, #tpu.memory_space<vmem>>[vector<16xi32>], vector<16xi32>,
      %shift_left3A_373 = arith.constant 16 : i32
      %shift_left3A_374 = vector.broadcast %shift_left3A_373 : i32 to vector<16xi32>
      %shift_left3A_375 = arith.shli %gather3A_372, %shift_left3A_374 : vector<16xi32>
      %bitcast3A_376 = vector.bitcast %shift_left3A_375 : vector<16xi32> to vector<16xf32>
      %and3A_377 = arith.andi %gather3A_372, %broadcast_in_dim3A_12 : vector<16xi32>
      %bitcast3A_378 = vector.bitcast %and3A_377 : vector<16xi32> to vector<16xf32>
      %add3A_379 = arith.addf %add3A_257, %bitcast3A_376 : vector<16xf32>
      %add3A_380 = arith.addf %add3A_258, %bitcast3A_378 : vector<16xf32>
      %mul3A_381 = arith.constant 128 : i32
      %mul3A_382 = arith.muli %scan3A_290, %mul3A_381 : i32
      %add3A_383 = arith.constant 96 : i32
      %add3A_384 = arith.addi %mul3A_382, %add3A_383 : i32
      %get3A_385 = arith.index_cast %add3A_384 : i32 to index
      %get3A_386 = tpu.vector_load %arg8[%get3A_385] {strides = array<i32>} : memref<6400xi32, #tpu.memory_space<vmem>>, vector<16xi32>,
      %gather3A_387 = tpu.vector_load_idx %arg5[%get3A_386] : memref<100096xi32, #tpu.memory_space<vmem>>[vector<16xi32>], vector<16xi32>,
      %shift_left3A_388 = arith.constant 16 : i32
      %shift_left3A_389 = vector.broadcast %shift_left3A_388 : i32 to vector<16xi32>
      %shift_left3A_390 = arith.shli %gather3A_387, %shift_left3A_389 : vector<16xi32>
      %bitcast3A_391 = vector.bitcast %shift_left3A_390 : vector<16xi32> to vector<16xf32>
      %and3A_392 = arith.andi %gather3A_387, %broadcast_in_dim3A_12 : vector<16xi32>
      %bitcast3A_393 = vector.bitcast %and3A_392 : vector<16xi32> to vector<16xf32>
      %add3A_394 = arith.addf %add3A_272, %bitcast3A_391 : vector<16xf32>
      %add3A_395 = arith.addf %add3A_273, %bitcast3A_393 : vector<16xf32>
      %mul3A_396 = arith.constant 128 : i32
      %mul3A_397 = arith.muli %scan3A_290, %mul3A_396 : i32
      %add3A_398 = arith.constant 112 : i32
      %add3A_399 = arith.addi %mul3A_397, %add3A_398 : i32
      %get3A_400 = arith.index_cast %add3A_399 : i32 to index
      %get3A_401 = tpu.vector_load %arg8[%get3A_400] {strides = array<i32>} : memref<6400xi32, #tpu.memory_space<vmem>>, vector<16xi32>,
      %gather3A_402 = tpu.vector_load_idx %arg5[%get3A_401] : memref<100096xi32, #tpu.memory_space<vmem>>[vector<16xi32>], vector<16xi32>,
      %shift_left3A_403 = arith.constant 16 : i32
      %shift_left3A_404 = vector.broadcast %shift_left3A_403 : i32 to vector<16xi32>
      %shift_left3A_405 = arith.shli %gather3A_402, %shift_left3A_404 : vector<16xi32>
      %bitcast3A_406 = vector.bitcast %shift_left3A_405 : vector<16xi32> to vector<16xf32>
      %and3A_407 = arith.andi %gather3A_402, %broadcast_in_dim3A_12 : vector<16xi32>
      %bitcast3A_408 = vector.bitcast %and3A_407 : vector<16xi32> to vector<16xf32>
      %add3A_409 = arith.addf %add3A_287, %bitcast3A_406 : vector<16xf32>
      %add3A_410 = arith.addf %add3A_288, %bitcast3A_408 : vector<16xf32>
      scf.yield %add3A_304, %add3A_305, %add3A_319, %add3A_320, %add3A_334, %add3A_335, %add3A_349, %add3A_350, %add3A_364, %add3A_365, %add3A_379, %add3A_380, %add3A_394, %add3A_395, %add3A_409, %add3A_410 : vector<16xf32>, vector<16xf32>, vector<16xf32>, vector<16xf32>, vector<16xf32>, vector<16xf32>, vector<16xf32>, vector<16xf32>, vector<16xf32>, vector<16xf32>, vector<16xf32>, vector<16xf32>, vector<16xf32>, vector<16xf32>, vector<16xf32>, vector<16xf32>
    }
    %scan3A_76 = arith.constant 50 : i32
    %mul3A_77 = arith.constant 5.000000e-03 : f32
    %mul3A_78 = vector.broadcast %mul3A_77 : f32 to vector<16xf32>
    %mul3A_79 = arith.mulf %scan3A_75#0, %mul3A_78 : vector<16xf32>
    %swap3A = arith.constant 0 : index
    %swap3A_80 = tpu.vector_load %arg9[%swap3A] {strides = array<i32>} : memref<128xf32, #tpu.memory_space<vmem>>, vector<16xf32>,
    tpu.vector_store %arg9[%swap3A], %mul3A_79 {strides = array<i32>} : memref<128xf32, #tpu.memory_space<vmem>>, vector<16xf32>,
    %mul3A_81 = arith.constant 5.000000e-03 : f32
    %mul3A_82 = vector.broadcast %mul3A_81 : f32 to vector<16xf32>
    %mul3A_83 = arith.mulf %scan3A_75#1, %mul3A_82 : vector<16xf32>
    %swap3A_84 = arith.constant 0 : index
    %swap3A_85 = tpu.vector_load %arg10[%swap3A_84] {strides = array<i32>} : memref<128xf32, #tpu.memory_space<vmem>>, vector<16xf32>,
    tpu.vector_store %arg10[%swap3A_84], %mul3A_83 {strides = array<i32>} : memref<128xf32, #tpu.memory_space<vmem>>, vector<16xf32>,
    %mul3A_86 = arith.constant 5.000000e-03 : f32
    %mul3A_87 = vector.broadcast %mul3A_86 : f32 to vector<16xf32>
    %mul3A_88 = arith.mulf %scan3A_75#2, %mul3A_87 : vector<16xf32>
    %swap3A_89 = arith.constant 16 : index
    %swap3A_90 = tpu.vector_load %arg9[%swap3A_89] {strides = array<i32>} : memref<128xf32, #tpu.memory_space<vmem>>, vector<16xf32>,
    tpu.vector_store %arg9[%swap3A_89], %mul3A_88 {strides = array<i32>} : memref<128xf32, #tpu.memory_space<vmem>>, vector<16xf32>,
    %mul3A_91 = arith.constant 5.000000e-03 : f32
    %mul3A_92 = vector.broadcast %mul3A_91 : f32 to vector<16xf32>
    %mul3A_93 = arith.mulf %scan3A_75#3, %mul3A_92 : vector<16xf32>
    %swap3A_94 = arith.constant 16 : index
    %swap3A_95 = tpu.vector_load %arg10[%swap3A_94] {strides = array<i32>} : memref<128xf32, #tpu.memory_space<vmem>>, vector<16xf32>,
    tpu.vector_store %arg10[%swap3A_94], %mul3A_93 {strides = array<i32>} : memref<128xf32, #tpu.memory_space<vmem>>, vector<16xf32>,
    %mul3A_96 = arith.constant 5.000000e-03 : f32
    %mul3A_97 = vector.broadcast %mul3A_96 : f32 to vector<16xf32>
    %mul3A_98 = arith.mulf %scan3A_75#4, %mul3A_97 : vector<16xf32>
    %swap3A_99 = arith.constant 32 : index
    %swap3A_100 = tpu.vector_load %arg9[%swap3A_99] {strides = array<i32>} : memref<128xf32, #tpu.memory_space<vmem>>, vector<16xf32>,
    tpu.vector_store %arg9[%swap3A_99], %mul3A_98 {strides = array<i32>} : memref<128xf32, #tpu.memory_space<vmem>>, vector<16xf32>,
    %mul3A_101 = arith.constant 5.000000e-03 : f32
    %mul3A_102 = vector.broadcast %mul3A_101 : f32 to vector<16xf32>
    %mul3A_103 = arith.mulf %scan3A_75#5, %mul3A_102 : vector<16xf32>
    %swap3A_104 = arith.constant 32 : index
    %swap3A_105 = tpu.vector_load %arg10[%swap3A_104] {strides = array<i32>} : memref<128xf32, #tpu.memory_space<vmem>>, vector<16xf32>,
    tpu.vector_store %arg10[%swap3A_104], %mul3A_103 {strides = array<i32>} : memref<128xf32, #tpu.memory_space<vmem>>, vector<16xf32>,
    %mul3A_106 = arith.constant 5.000000e-03 : f32
    %mul3A_107 = vector.broadcast %mul3A_106 : f32 to vector<16xf32>
    %mul3A_108 = arith.mulf %scan3A_75#6, %mul3A_107 : vector<16xf32>
    %swap3A_109 = arith.constant 48 : index
    %swap3A_110 = tpu.vector_load %arg9[%swap3A_109] {strides = array<i32>} : memref<128xf32, #tpu.memory_space<vmem>>, vector<16xf32>,
    tpu.vector_store %arg9[%swap3A_109], %mul3A_108 {strides = array<i32>} : memref<128xf32, #tpu.memory_space<vmem>>, vector<16xf32>,
    %mul3A_111 = arith.constant 5.000000e-03 : f32
    %mul3A_112 = vector.broadcast %mul3A_111 : f32 to vector<16xf32>
    %mul3A_113 = arith.mulf %scan3A_75#7, %mul3A_112 : vector<16xf32>
    %swap3A_114 = arith.constant 48 : index
    %swap3A_115 = tpu.vector_load %arg10[%swap3A_114] {strides = array<i32>} : memref<128xf32, #tpu.memory_space<vmem>>, vector<16xf32>,
    tpu.vector_store %arg10[%swap3A_114], %mul3A_113 {strides = array<i32>} : memref<128xf32, #tpu.memory_space<vmem>>, vector<16xf32>,
    %mul3A_116 = arith.constant 5.000000e-03 : f32
    %mul3A_117 = vector.broadcast %mul3A_116 : f32 to vector<16xf32>
    %mul3A_118 = arith.mulf %scan3A_75#8, %mul3A_117 : vector<16xf32>
    %swap3A_119 = arith.constant 64 : index
    %swap3A_120 = tpu.vector_load %arg9[%swap3A_119] {strides = array<i32>} : memref<128xf32, #tpu.memory_space<vmem>>, vector<16xf32>,
    tpu.vector_store %arg9[%swap3A_119], %mul3A_118 {strides = array<i32>} : memref<128xf32, #tpu.memory_space<vmem>>, vector<16xf32>,
    %mul3A_121 = arith.constant 5.000000e-03 : f32
    %mul3A_122 = vector.broadcast %mul3A_121 : f32 to vector<16xf32>
    %mul3A_123 = arith.mulf %scan3A_75#9, %mul3A_122 : vector<16xf32>
    %swap3A_124 = arith.constant 64 : index
    %swap3A_125 = tpu.vector_load %arg10[%swap3A_124] {strides = array<i32>} : memref<128xf32, #tpu.memory_space<vmem>>, vector<16xf32>,
    tpu.vector_store %arg10[%swap3A_124], %mul3A_123 {strides = array<i32>} : memref<128xf32, #tpu.memory_space<vmem>>, vector<16xf32>,
    %mul3A_126 = arith.constant 5.000000e-03 : f32
    %mul3A_127 = vector.broadcast %mul3A_126 : f32 to vector<16xf32>
    %mul3A_128 = arith.mulf %scan3A_75#10, %mul3A_127 : vector<16xf32>
    %swap3A_129 = arith.constant 80 : index
    %swap3A_130 = tpu.vector_load %arg9[%swap3A_129] {strides = array<i32>} : memref<128xf32, #tpu.memory_space<vmem>>, vector<16xf32>,
    tpu.vector_store %arg9[%swap3A_129], %mul3A_128 {strides = array<i32>} : memref<128xf32, #tpu.memory_space<vmem>>, vector<16xf32>,
    %mul3A_131 = arith.constant 5.000000e-03 : f32
    %mul3A_132 = vector.broadcast %mul3A_131 : f32 to vector<16xf32>
    %mul3A_133 = arith.mulf %scan3A_75#11, %mul3A_132 : vector<16xf32>
    %swap3A_134 = arith.constant 80 : index
    %swap3A_135 = tpu.vector_load %arg10[%swap3A_134] {strides = array<i32>} : memref<128xf32, #tpu.memory_space<vmem>>, vector<16xf32>,
    tpu.vector_store %arg10[%swap3A_134], %mul3A_133 {strides = array<i32>} : memref<128xf32, #tpu.memory_space<vmem>>, vector<16xf32>,
    %mul3A_136 = arith.constant 5.000000e-03 : f32
    %mul3A_137 = vector.broadcast %mul3A_136 : f32 to vector<16xf32>
    %mul3A_138 = arith.mulf %scan3A_75#12, %mul3A_137 : vector<16xf32>
    %swap3A_139 = arith.constant 96 : index
    %swap3A_140 = tpu.vector_load %arg9[%swap3A_139] {strides = array<i32>} : memref<128xf32, #tpu.memory_space<vmem>>, vector<16xf32>,
    tpu.vector_store %arg9[%swap3A_139], %mul3A_138 {strides = array<i32>} : memref<128xf32, #tpu.memory_space<vmem>>, vector<16xf32>,
    %mul3A_141 = arith.constant 5.000000e-03 : f32
    %mul3A_142 = vector.broadcast %mul3A_141 : f32 to vector<16xf32>
    %mul3A_143 = arith.mulf %scan3A_75#13, %mul3A_142 : vector<16xf32>
    %swap3A_144 = arith.constant 96 : index
    %swap3A_145 = tpu.vector_load %arg10[%swap3A_144] {strides = array<i32>} : memref<128xf32, #tpu.memory_space<vmem>>, vector<16xf32>,
    tpu.vector_store %arg10[%swap3A_144], %mul3A_143 {strides = array<i32>} : memref<128xf32, #tpu.memory_space<vmem>>, vector<16xf32>,
    %mul3A_146 = arith.constant 5.000000e-03 : f32
    %mul3A_147 = vector.broadcast %mul3A_146 : f32 to vector<16xf32>
    %mul3A_148 = arith.mulf %scan3A_75#14, %mul3A_147 : vector<16xf32>
    %swap3A_149 = arith.constant 112 : index
    %swap3A_150 = tpu.vector_load %arg9[%swap3A_149] {strides = array<i32>} : memref<128xf32, #tpu.memory_space<vmem>>, vector<16xf32>,
    tpu.vector_store %arg9[%swap3A_149], %mul3A_148 {strides = array<i32>} : memref<128xf32, #tpu.memory_space<vmem>>, vector<16xf32>,
    %mul3A_151 = arith.constant 5.000000e-03 : f32
    %mul3A_152 = vector.broadcast %mul3A_151 : f32 to vector<16xf32>
    %mul3A_153 = arith.mulf %scan3A_75#15, %mul3A_152 : vector<16xf32>
    %swap3A_154 = arith.constant 112 : index
    %swap3A_155 = tpu.vector_load %arg10[%swap3A_154] {strides = array<i32>} : memref<128xf32, #tpu.memory_space<vmem>>, vector<16xf32>,
    tpu.vector_store %arg10[%swap3A_154], %mul3A_153 {strides = array<i32>} : memref<128xf32, #tpu.memory_space<vmem>>, vector<16xf32>,
    %run_scoped3A = arith.constant 0 : i32
    "tpu.region"() ({
      %run_scoped3A_157 = tpu.sem_alloc : memref<!tpu.dma_semaphore, #tpu.memory_space<semaphore_mem>>
      %dma_start3A_158 = tpu.memref_slice %arg4[%run_scoped3A, %mul3A_2] : memref<2x4096xf32, #tpu.memory_space<hbm>> -> memref<1x128xf32, #tpu.memory_space<hbm>>
      %dma_start3A_159 = tpu.memref_squeeze %dma_start3A_158 : memref<1x128xf32, #tpu.memory_space<hbm>> -> memref<128xf32, #tpu.memory_space<hbm>>
      %dma_start3A_160 = tpu.memref_slice %arg4[%run_scoped3A, %mul3A_2] : memref<2x4096xf32, #tpu.memory_space<hbm>> -> memref<1x128xf32, #tpu.memory_space<hbm>>
      %dma_start3A_161 = tpu.memref_squeeze %dma_start3A_160 : memref<1x128xf32, #tpu.memory_space<hbm>> -> memref<128xf32, #tpu.memory_space<hbm>>
      tpu.enqueue_dma source(%arg9 : memref<128xf32, #tpu.memory_space<vmem>>) target(%dma_start3A_161 : memref<128xf32, #tpu.memory_space<hbm>>) target_semaphore(%run_scoped3A_157 : memref<!tpu.dma_semaphore, #tpu.memory_space<semaphore_mem>>)
      %dma_wait3A_162 = tpu.memref_slice %arg4[%run_scoped3A, %mul3A_2] : memref<2x4096xf32, #tpu.memory_space<hbm>> -> memref<1x128xf32, #tpu.memory_space<hbm>>
      %dma_wait3A_163 = tpu.memref_squeeze %dma_wait3A_162 : memref<1x128xf32, #tpu.memory_space<hbm>> -> memref<128xf32, #tpu.memory_space<hbm>>
      %dma_wait3A_164 = tpu.memref_slice %arg4[%run_scoped3A, %mul3A_2] : memref<2x4096xf32, #tpu.memory_space<hbm>> -> memref<1x128xf32, #tpu.memory_space<hbm>>
      %dma_wait3A_165 = tpu.memref_squeeze %dma_wait3A_164 : memref<1x128xf32, #tpu.memory_space<hbm>> -> memref<128xf32, #tpu.memory_space<hbm>>
      tpu.wait_dma2 semaphore(%run_scoped3A_157 : memref<!tpu.dma_semaphore, #tpu.memory_space<semaphore_mem>>) src(%arg9 : memref<128xf32, #tpu.memory_space<vmem>>) dst(%dma_wait3A_165 : memref<128xf32, #tpu.memory_space<hbm>>)
      tpu.yield
    }) : () -> ()
    %run_scoped3A_156 = arith.constant 1 : i32
    "tpu.region"() ({
      %run_scoped3A_157 = tpu.sem_alloc : memref<!tpu.dma_semaphore, #tpu.memory_space<semaphore_mem>>
      %dma_start3A_158 = tpu.memref_slice %arg4[%run_scoped3A_156, %mul3A_2] : memref<2x4096xf32, #tpu.memory_space<hbm>> -> memref<1x128xf32, #tpu.memory_space<hbm>>
      %dma_start3A_159 = tpu.memref_squeeze %dma_start3A_158 : memref<1x128xf32, #tpu.memory_space<hbm>> -> memref<128xf32, #tpu.memory_space<hbm>>
      %dma_start3A_160 = tpu.memref_slice %arg4[%run_scoped3A_156, %mul3A_2] : memref<2x4096xf32, #tpu.memory_space<hbm>> -> memref<1x128xf32, #tpu.memory_space<hbm>>
      %dma_start3A_161 = tpu.memref_squeeze %dma_start3A_160 : memref<1x128xf32, #tpu.memory_space<hbm>> -> memref<128xf32, #tpu.memory_space<hbm>>
      tpu.enqueue_dma source(%arg10 : memref<128xf32, #tpu.memory_space<vmem>>) target(%dma_start3A_161 : memref<128xf32, #tpu.memory_space<hbm>>) target_semaphore(%run_scoped3A_157 : memref<!tpu.dma_semaphore, #tpu.memory_space<semaphore_mem>>)
      %dma_wait3A_162 = tpu.memref_slice %arg4[%run_scoped3A_156, %mul3A_2] : memref<2x4096xf32, #tpu.memory_space<hbm>> -> memref<1x128xf32, #tpu.memory_space<hbm>>
      %dma_wait3A_163 = tpu.memref_squeeze %dma_wait3A_162 : memref<1x128xf32, #tpu.memory_space<hbm>> -> memref<128xf32, #tpu.memory_space<hbm>>
      %dma_wait3A_164 = tpu.memref_slice %arg4[%run_scoped3A_156, %mul3A_2] : memref<2x4096xf32, #tpu.memory_space<hbm>> -> memref<1x128xf32, #tpu.memory_space<hbm>>
      %dma_wait3A_165 = tpu.memref_squeeze %dma_wait3A_164 : memref<1x128xf32, #tpu.memory_space<hbm>> -> memref<128xf32, #tpu.memory_space<hbm>>
      tpu.wait_dma2 semaphore(%run_scoped3A_157 : memref<!tpu.dma_semaphore, #tpu.memory_space<semaphore_mem>>) src(%arg10 : memref<128xf32, #tpu.memory_space<vmem>>) dst(%dma_wait3A_165 : memref<128xf32, #tpu.memory_space<hbm>>)
      tpu.yield
    }) : () -> ()
    return
  }
}

module attributes {stable_mosaic.version = 14 : i64} {
  func.func @_tc_project_body(%arg0: i32, %arg1: memref<25088x128xf32, #tpu.memory_space<vmem>>, %arg2: memref<128x2xf32, #tpu.memory_space<vmem>>, %arg3: memref<2x1xf32, #tpu.memory_space<vmem>>, %arg4: memref<1x25088xi32, #tpu.memory_space<vmem>>) attributes {dimension_semantics = [#tpu.dimension_semantics<arbitrary>], iteration_bounds = array<i64: 4>, scalar_prefetch = 0 : i64, scratch_operands = 0 : i64, tpu.core_type = #tpu.core_type<tc>, window_params = [{transform_indices = @transform_0, window_bounds = array<i64: 25088, 128>}, {pipeline_mode = #tpu.pipeline_mode<synchronous>, transform_indices = @transform_1, window_bounds = array<i64: 128, 2>}, {pipeline_mode = #tpu.pipeline_mode<synchronous>, transform_indices = @transform_2, window_bounds = array<i64: 2, 1>}, {transform_indices = @transform_3, window_bounds = array<i64: 1, 25088>}]} {
    %get3A = arith.constant 0 : index
    %get3A_0 = arith.constant 0 : index
    %get3A_1 = vector.load %arg2[%get3A, %get3A_0] : memref<128x2xf32, #tpu.memory_space<vmem>>, vector<128x2xf32>
    %get3A_2 = arith.constant 0 : index
    %get3A_3 = arith.constant 0 : index
    %get3A_4 = vector.load %arg1[%get3A_2, %get3A_3] : memref<25088x128xf32, #tpu.memory_space<vmem>>, vector<25088x128xf32>
    %dot_general3A = arith.constant dense<0.000000e+00> : vector<2x25088xf32>
    %dot_general3A_5 = tpu.matmul %get3A_1, %get3A_4, %dot_general3A {dimension_numbers = #tpu.dot_dimension_numbers<[0], [1], [1], [0], [0, 1, 1, 0], [], []>, transpose_lhs_hint = false} : vector<128x2xf32>, vector<25088x128xf32>, vector<2x25088xf32> -> vector<2x25088xf32>
    %get3A_6 = arith.constant 0 : index
    %get3A_7 = arith.constant 0 : index
    %get3A_8 = vector.load %arg3[%get3A_6, %get3A_7] : memref<2x1xf32, #tpu.memory_space<vmem>>, vector<2x1xf32>
    %add3A = vector.broadcast %get3A_8 : vector<2x1xf32> to vector<2x25088xf32>
    %add3A_9 = arith.addf %dot_general3A_5, %add3A : vector<2x25088xf32>
    %convert_element_type3A = arith.truncf %add3A_9 : vector<2x25088xf32> to vector<2x25088xbf16>
    %bitcast_convert_type3A = tpu.bitcast %convert_element_type3A : vector<2x25088xbf16> -> vector<2x25088xi16>
    %convert_element_type3A_10 = arith.extui %bitcast_convert_type3A : vector<2x25088xi16> to vector<2x25088xi32>
    %slice3A = vector.extract_strided_slice %convert_element_type3A_10 {offsets = [1, 0], sizes = [1, 25088], strides = [1, 1]} : vector<2x25088xi32> to vector<1x25088xi32>
    %shift_left3A = arith.constant 16 : i32
    %shift_left3A_11 = vector.broadcast %shift_left3A : i32 to vector<1x25088xi32>
    %shift_left3A_12 = arith.shli %slice3A, %shift_left3A_11 : vector<1x25088xi32>
    %slice3A_13 = vector.extract_strided_slice %convert_element_type3A_10 {offsets = [0, 0], sizes = [1, 25088], strides = [1, 1]} : vector<2x25088xi32> to vector<1x25088xi32>
    %or3A = arith.ori %shift_left3A_12, %slice3A_13 : vector<1x25088xi32>
    %bitcast_convert_type3A_14 = tpu.bitcast %or3A : vector<1x25088xi32> -> vector<1x25088xi32>
    %swap3A = arith.constant 0 : index
    %swap3A_15 = arith.constant 0 : index
    %swap3A_16 = vector.load %arg4[%swap3A, %swap3A_15] : memref<1x25088xi32, #tpu.memory_space<vmem>>, vector<1x25088xi32>
    tpu.vector_store %arg4[%swap3A, %swap3A_15], %bitcast_convert_type3A_14 {strides = array<i32>} : memref<1x25088xi32, #tpu.memory_space<vmem>>, vector<1x25088xi32>,
    return
  }
  func.func @transform_0(%arg0: i32) -> (i32, i32) {
    %c0_i32 = arith.constant 0 : i32
    %c0_i32_0 = arith.constant 0 : i32
    return %arg0, %c0_i32 : i32, i32
  }
  func.func @transform_1(%arg0: i32) -> (i32, i32) {
    %c0_i32 = arith.constant 0 : i32
    %c0_i32_0 = arith.constant 0 : i32
    %c0_i32_1 = arith.constant 0 : i32
    return %c0_i32, %c0_i32_0 : i32, i32
  }
  func.func @transform_2(%arg0: i32) -> (i32, i32) {
    %c0_i32 = arith.constant 0 : i32
    %c0_i32_0 = arith.constant 0 : i32
    %c0_i32_1 = arith.constant 0 : i32
    return %c0_i32, %c0_i32_0 : i32, i32
  }
  func.func @transform_3(%arg0: i32) -> (i32, i32) {
    %c0_i32 = arith.constant 0 : i32
    %c0_i32_0 = arith.constant 0 : i32
    return %c0_i32, %arg0 : i32, i32
  }
}

</mosaic_0001>

<sc_bundles>
// kernel: kernel.4.cloned.1.call-start
scs
__scs_entry_jumppad:
0x0: {  	(pc) =	sbr.rel $0x88, $3  }
0x1: {  	(tag) =	ssettag $0x0;
	lr =	simm.s32 $0x1  }
0x2: {  	[smem:$0x3F9D] =	sst lr;
	_ =	strace $0xD0000000  }
0x3: {  	_ = 	snop  }
0x4: {  	_ = 	snop  }
0x5: {  	_ = 	snop  }
0x6: {  	_ = 	snop  }
0x7: {  	_ = 	snop  }
__scs_overlays_trampoline_lowered:
0x8: {  	[smem:$0x3FAC] =	sst s0  }
0x9: {  	[smem:$0x3FAD] =	sst s1  }
0xa: {  	[smem:$0x3FAE] =	sst s2  }
0xb: {  	[smem:$0x3FAF] =	sst s3  }
0xc: {  	[smem:$0x3FB0] =	sst s4  }
0xd: {  	[smem:$0x3FB1] =	sst s5  }
0xe: {  	[smem:$0x3FB2] =	sst s6  }
0xf: {  	[smem:$0x3FB3] =	sst s7  }
0x10: {  	[smem:$0x3FB4] =	sst s8  }
0x11: {  	[smem:$0x3FB5] =	sst s9;
	s0 =	simm.s32 @!p0 $0x0  }
0x12: {  	s1 =	sld [smem:$0x3F9B];
	s0 =	simm.s32 @p0 $0x1  }
0x13: {  	[smem:$0x3FB6] =	sst s0;
	s0 =	simm.s32 @!p1 $0x0  }
0x14: {  	s2 =	sld [smem:$0x3F9A];
	s0 =	simm.s32 @p1 $0x1  }
0x15: {  	[smem:$0x3FB7] =	sst s0;
	s0 =	simm.s32 @!p2 $0x0  }
0x16: {  	s3 =	sld [smem:$0x3FDB];
	s0 =	simm.s32 @p2 $0x1  }
0x17: {  	s4 =	simm.s32 $0x1BF5;
	[smem:$0x3FB9] =	sst s0  }
0x18: {  	s0 =	sld [smem:$0x3F9C];
	_ =	swait.ge [sflag:s4], $0x0  }
0x19: {  	s7 =	sld [smem:$0x3F9D]  }
0x1a: {  	s8 =	sadd.s32 $0xFFFFE003, lr  }
0x1b: {  	s9 =	sadd.s32 $0xFFFFFEF7, lr;
	s5 =	simm.s32 $0xFFFFFFFF;
	p2 =	slt.u32 s8, $0xFFFFF086  }
0x1c: {  	p1 =	slt.u32 s9, $0xF7A;
	s5 =	simm.s32 @!p2 $0x0  }
0x1d: {  	s5 =	simm.s32 @p1 $0x1;
	p0 =	seq.s32 s7, s2  }
0x1e: {  	s7 =	smul.u32 @!p0 $0xF7A, s2;
	p2 =	seq.s32 @!p0 s5, $0x0  }
0x1f: {  	s9 =	smul.u32 $0xF7A, s1;
	s8 =	simm.s32 @!p0 $0x1BF5;
	p2 =	por !p2, p0  }
0x20: {  	[sflag:s8] =	ssyncset.s32 @!p0 $0xFFFFF086;
	s6 =	sadd.s32 @!p0 s3, s7;
	s7 =	simm.s32 @!p0 $0x108  }
0x21: {  	s3 =	sadd.s32 s3, s9;
	s6 =	sadd.s32 @!p0 $0x88, s6;
	s7 =	simm.s32 @p2 $0x1082  }
0x22: {  	[simem:s7], [sflag:s8] =	dma.local @!p0 [hbm:s6], $0xF7A  }
0x23: {  	s9 =	sor.u32 $0xD0000000, s2;
	s6 =	simm.s32 $0x108;
	_ =	swait.ge @!p0 [sflag:s8], $0x0  }
0x24: {  	s3 =	sadd.s32 $0x88, s3;
	s6 =	simm.s32 @!p1 $0x1082;
	[sflag:s4] =	ssyncset.s32 $0xFFFFF086  }
0x25: {  	[simem:s6], [sflag:s4] =	dma.local [hbm:s3], $0xF7A  }
0x26: {  	[smem:$0x3F9D] =	sst s1;
	(tag) =	ssettag s2;
	_ =	strace s9  }
0x27: {  	s1 =	sld [smem:$0x3FAD]  }
0x28: {  	s2 =	sld [smem:$0x3FAE]  }
0x29: {  	s4 =	sld [smem:$0x3FB0]  }
0x2a: {  	p0 =	seq.s32 s5, $0x0;
	s5 =	sld [smem:$0x3FB1]  }
0x2b: {  	s6 =	sld [smem:$0x3FB2]  }
0x2c: {  	s7 =	sld [smem:$0x3FB3]  }
0x2d: {  	s3 =	simm.s32 $0x108;
	s8 =	sld [smem:$0x3FB4]  }
0x2e: {  	s3 =	simm.s32 @!p0 $0x1082;
	s9 =	sld [smem:$0x3FB5]  }
0x2f: {  	lr =	sadd.s32 s0, s3;
	s0 =	sld [smem:$0x3FAC]  }
0x30: {  	s3 =	sld [smem:$0x3FAF]  }
0x31: {  	[smem:$0x3FB8] =	sst s10  }
0x32: {  	s10 =	sld [smem:$0x3FB6];
	_ =	sdelay $0x3  }
0x33: {  	p0 =	seq.s32 s10, $0x1;
	s10 =	sld [smem:$0x3FB8];
	_ =	sdelay $0x3  }
0x34: {  	[smem:$0x3FB8] =	sst s10  }
0x35: {  	s10 =	sld [smem:$0x3FB7];
	_ =	sdelay $0x3  }
0x36: {  	p1 =	seq.s32 s10, $0x1;
	s10 =	sld [smem:$0x3FB8];
	_ =	sdelay $0x3  }
0x37: {  	[smem:$0x3FB8] =	sst s10  }
0x38: {  	s10 =	sld [smem:$0x3FB9]  }
0x39: {  	_ = 	snop;
	(pc) =	sbr.ind lr, $3  }
0x3a: {  	_ = 	snop  }
0x3b: {  	_ = 	snop  }
0x3c: {  	p2 =	seq.s32 s10, $0x1;
	s10 =	sld [smem:$0x3FB8]  }
0x3d: {  	_ =	shalt  }
0x3e: {  	_ =	shalt  }
0x3f: {  	_ =	shalt  }
0x40: {  	_ =	shalt  }
0x41: {  	_ =	shalt  }
0x42: {  	_ =	shalt  }
0x43: {  	_ =	shalt  }
0x44: {  	_ =	shalt  }
0x45: {  	_ =	shalt  }
0x46: {  	_ =	shalt  }
0x47: {  	_ =	shalt  }
0x48: {  	_ =	shalt  }
0x49: {  	_ =	shalt  }
0x4a: {  	_ =	shalt  }
0x4b: {  	_ =	shalt  }
0x4c: {  	_ =	shalt  }
0x4d: {  	_ =	shalt  }
0x4e: {  	_ =	shalt  }
0x4f: {  	_ =	shalt  }
0x50: {  	_ =	shalt  }
0x51: {  	_ =	shalt  }
0x52: {  	_ =	shalt  }
0x53: {  	_ =	shalt  }
0x54: {  	_ =	shalt  }
0x55: {  	_ =	shalt  }
0x56: {  	_ =	shalt  }
0x57: {  	_ =	shalt  }
0x58: {  	_ =	shalt  }
0x59: {  	_ =	shalt  }
0x5a: {  	_ =	shalt  }
0x5b: {  	_ =	shalt  }
0x5c: {  	_ =	shalt  }
0x5d: {  	_ =	shalt  }
0x5e: {  	_ =	shalt  }
0x5f: {  	_ =	shalt  }
0x60: {  	_ =	shalt  }
0x61: {  	_ =	shalt  }
0x62: {  	_ =	shalt  }
0x63: {  	_ =	shalt  }
0x64: {  	_ =	shalt  }
0x65: {  	_ =	shalt  }
0x66: {  	_ =	shalt  }
0x67: {  	_ =	shalt  }
0x68: {  	_ =	shalt  }
0x69: {  	_ =	shalt  }
0x6a: {  	_ =	shalt  }
0x6b: {  	_ =	shalt  }
0x6c: {  	_ =	shalt  }
0x6d: {  	_ =	shalt  }
0x6e: {  	_ =	shalt  }
0x6f: {  	_ =	shalt  }
0x70: {  	_ =	shalt  }
0x71: {  	_ =	shalt  }
0x72: {  	_ =	shalt  }
0x73: {  	_ =	shalt  }
0x74: {  	_ =	shalt  }
0x75: {  	_ =	shalt  }
0x76: {  	_ =	shalt  }
0x77: {  	_ =	shalt  }
0x78: {  	_ =	shalt  }
0x79: {  	_ =	shalt  }
0x7a: {  	_ =	shalt  }
0x7b: {  	_ =	shalt  }
0x7c: {  	_ =	shalt  }
0x7d: {  	_ =	shalt  }
0x7e: {  	_ =	shalt  }
0x7f: {  	_ =	shalt  }
0x80: {  	_ =	shalt  }
0x81: {  	_ =	shalt  }
0x82: {  	_ =	shalt  }
0x83: {  	_ =	shalt  }
0x84: {  	_ =	shalt  }
0x85: {  	_ =	shalt  }
0x86: {  	_ =	shalt  }
0x87: {  	_ =	shalt  }
.Lfunc_end0:
.L_simem_size_0:
called_computation_lowered:
.L_overlay_start_0:
0x88: {  	s2 =	sld [smem:$0x3FD9]  }
0x89: {  	s3 =	sld [smem:$0x3FFE];
	_ =	sdelay $0x1  }
0x8a: {  	s1 =	srdreg.scid  }
0x8b: {  	s0 =	sand.u32 $0x1, s1  }
0x8c: {  	s17 =	sshll.u32 s0, $0xA;
	s2 =	sadd.s32 s3, s2  }
0x8d: {  	s2 =	sadd.s32 s2, s17  }
0x8e: {  	[smem:$0x3FC4] =	sst s2  }
0x8f: {  	_ = 	snop  }
0x90: {  	s2 =	sld [smem:$0x3FD0];
	(tm) =	ssettm $0x1  }
0x91: {  	s18 =	sld [smem:$0x3FFB];
	_ =	sdelay $0x3  }
0x92: {  	_ =	strace s18  }
0x93: {  	s3 =	sld [smem:$0x3FFC];
	_ =	sdelay $0x3  }
0x94: {  	_ =	strace s3  }
0x95: {  	s3 =	sld [smem:$0x3FFD];
	_ =	sdelay $0x3  }
0x96: {  	_ =	strace s3  }
0x97: {  	_ =	strace $0x8FFFFFFF  }
0x98: {  	s19 =	sld [smem:$0x3FDB];
	_ =	sdelay $0x1  }
0x99: {  	s4 =	simm.s32 $_scs_section_size  }
0x9a: {  	s5 =	simm.s32 $_size__tile_overlayer_lowered;
	s6 =	simm.s32 $_tile_overlayer_lowered  }
0x9b: {  	s22 =	simm.s32 $0x1BFF;
	s21 =	sshll.u32 s6, $0x1;
	s3 =	sadd.s32 s4, s19  }
0x9c: {  	s7 =	simm.s32 $0x0;
	s20 =	sshll.u32 s5, $0x1;
	s5 =	sadd.s32 s21, s3  }
0x9d: {  	[timem:s7], [sflag:s22] =	dma.local [hbm:s5], s20  }
0x9e: {  	_ =	swait.ge [sflag:s22], s20  }
0x9f: {  	s4 =	ssub.s32 $0x0, s20;
	[sflag:s22] =	ssyncset.done $0x0  }
0xa0: {  	[sflag:s22] =	ssyncadd.s32 s4;
	_ =	sdelay $0x1  }
0xa1: {  	s23 =	simm.s32 $0x1B8B  }
0xa2: {  	_ =	swait.ge [sflag:s23], $0x1  }
0xa3: {  	[sflag:s23] =	ssyncset.done $0x0  }
0xa4: {  	s25 =	simm.s32 $0x1B8E;
	s24 =	sld [smem:$0x3FFE];
	[sflag:s23] =	ssyncadd.s32 $0xFFFFFFFF  }
0xa5: {  	s26 =	simm.s32 $execute0_lowered;
	[smem:$0x3FD2] =	sst s25  }
0xa6: {  	s5 =	sshll.u32 s26, $0x1;
	_ =	strace $0x80000046;
	[dreg:$0x1] =	wrdreg $0xFFFFFFFF  }
0xa7: {  	s28 =	simm.s32 $_size_execute0_lowered;
	s3 =	sadd.s32 s3, s5;
	[dreg:$0x0] =	wrdreg $0x0  }
0xa8: {  	s5 =	sshll.u32 s28, $0x1;
	[dreg:$0x2] =	wrdreg s3  }
0xa9: {  	[dreg:$0x3] =	wrdreg s5  }
0xaa: {  	[dreg:$0x4] =	wrdreg $0xC0  }
0xab: {  	_ =	task [dreg:s7], $0x5FFFF  }
0xac: {  	[dreg:$0x1] =	wrdreg $0xFFFFFFFF  }
0xad: {  	[dreg:$0x0] =	wrdreg $0x60  }
0xae: {  	[dreg:$0x2] =	wrdreg s24  }
0xaf: {  	[dreg:$0x3] =	wrdreg s2  }
0xb0: {  	[dreg:$0x4] =	wrdreg $0x187000  }
0xb1: {  	[dreg:$0x5] =	wrdreg $0x9  }
0xb2: {  	_ =	task.clear_ibuf [dreg:s7], $0x6FFFF;
	_ =	strace $0x90000046  }
0xb3: {  	s29 =	simm.s32 $0x9;
	_ =	strace $0x80000048  }
0xb4: {  	_ =	swait.ge [sflag:s29], $0x1  }
0xb5: {  	[sflag:s29] =	ssyncadd.s32 $0xFFFFFFFF  }
0xb6: {  	_ =	strace $0x90000048  }
0xb7: {  	_ =	sfence  }
0xb8: {  	s30 =	sld [smem:$0x0];
	_ =	sdelay $0x2  }
0xb9: {  	s31 =	sshll.u32 s1, $0xD;
	s1 =	sshrl.u32 s1, $0x2  }
0xba: {  	s3 =	sand.u32 $0x4000, s31;
	s1 =	sadd.s32 s1, s30  }
0xbb: {  	s0 =	sor.u32 s3, s0;
	s1 =	sshll.u32 s1, $0x11  }
0xbc: {  	s0 =	sor.u32 s1, s0  }
0xbd: {  	s0 =	sadd.s32 $0x8F2B, s0  }
0xbe: {  	[sflag:s0] =	ssyncadd.remote.s32 $0x1  }
0xbf: {  	_ =	sfence.sel $0xFFFF  }
0xc0: {  	[dreg:$0x0] =	wrdreg $0xFFFFFFFF;
	(pc) =	sbr.abs _section_cstart, $3  }
0xc1: {  	[dreg:$0x1] =	wrdreg $0xFFFFFFFF  }
0xc2: {  	_ =	task.clear_ibuf [dreg:s7], $0x2FFFF;
	_ =	strace $0x9FFFFFFF  }
0xc3: {  	(tm) =	ssettm $0x7FFFFFFF  }
tec
execute0_lowered:
.L_overlay_start_1:
0x0: {  	(tag) =	ssettag $0x1  }
0x1: {  	s4 =	rddreg [dreg:$0x0]  }
0x2: {  	s8 =	rddreg [dreg:$0x1]  }
0x3: {  	s1 =	rddreg [dreg:$0x2]  }
0x4: {  	s2 =	srdreg.scid;
	s11 =	stileid.u32  }
0x5: {  	s0 =	rddreg [dreg:$0x3];
	s15 =	simm.s32 $0x1;
	s16 =	simm.s32 $0x1B870  }
0x6: {  	s17 =	simm.s32 $0x2;
	s18 =	simm.s32 $0x3;
	s19 =	simm.s32 $0x1D170  }
0x7: {  	s20 =	simm.s32 $0x4;
	s21 =	simm.s32 $0x1D1F0;
	s22 =	simm.s32 $0x0  }
0x8: {  	s5 =	sand.u32 $0x1, s2;
	s3 =	sshll.u32 s11, $0x1;
	s2 =	simm.s32 $0x0  }
0x9: {  	s26 =	sshrl.u32 s11, $0x2;
	s10 =	sadd.s32 $0xC00, s4;
	p0 =	sne.s32 s11, $0x0  }
0xa: {  	s11 =	simm.s32 $0x80;
	s6 =	sor.u32 s5, s3;
	[smem:$0x7FF] =	sst s2  }
0xb: {  	s7 =	smul.u32 $0x32000, s26;
	s3 =	sadd.s32 $0x19C00, s4;
	s28 =	ssub.s32 $0x2, s5  }
0xc: {  	s14 =	sshrl.u32 @!p0 s1, $0x3;
	s9 =	sshll.u32 s6, $0x7;
	_ =	strace $0x80000047  }
0xd: {  	s5 =	sshrl.u32 s28, $0x1;
	s31 =	sshll.u32 s6, $0x5;
	s9 =	sand.u32 $0x380, s9  }
0xe: {  	s13 =	ssub.s32 s28, s5;
	s8 =	sadd.s32 s8, s31;
	s7 =	sor.u32 s7, s9  }
0xf: {  	s9 =	sshrl.u32 s7, $0x3;
	s12 =	sadd.s32 $0xC800, s7;
	s30 =	sadd.s32 $0x19000, s7  }
0x10: {  	s7 =	sadd.s32 $0x25800, s7;
	s4 =	sadd.s32 s10, s9;
	s29 =	sshrl.u32 s12, $0x3  }
0x11: {  	s9 =	sshrl.u32 s30, $0x3;
	s7 =	sshrl.u32 s7, $0x3;
	s12 =	simm.s32 $0x400  }
0x12: {  	s5 =	sadd.s32 s10, s29;
	s6 =	sadd.s32 s10, s9;
	s7 =	sadd.s32 s10, s7  }
0x13: {  	s9 =	sadd.s32 $0x10, s8;
	s10 =	smax.u32 s13, $0x1;
	s13 =	simm.s32 $0x19F70  }
.LBB2_1:
0x14: {  	[tilespmem:s13], [sflag:$0x2] =	stream.strided.gather [hbm4b:s4+s11], $0x1900, s12, s11, $0x38;
	[tilespmem:$0x1D270] =	vst v63  }
0x15: {  	s23 =	simm.s32 @!p0 $0x1C04  }
0x16: {  	[spmem:s14], [sflag:s23] =	dma.local @!p0 [hbm:s3], $0x30E0  }
0x17: {  	s23 =	simm.s32 @!p0 $0x4  }
0x18: {  	_ =	swait.ge @!p0 [sflag:s23], $0x30E0  }
0x19: {  	[sflag:s23] =	ssyncset.done @!p0 $0x0  }
0x1a: {  	[sflag:s23] =	ssyncadd.s32 @!p0 $0xFFFFCF20  }
0x1b: {  	[bflag:$0x0] =	sbarrier.arrive $0xFFFF  }
0x1c: {  	[tilespmem:s2], [sflag:$0x1] =	stream.linear.gather [spmem:s1], $0x18700, $0x38;
	[tilespmem:$0x1D270] =	vst v63  }
0x1d: {  	_ =	swait.ge [sflag:s15], $0x18700  }
0x1e: {  	[sflag:s15] =	ssyncset.done $0x0  }
0x1f: {  	[sflag:s15] =	ssyncadd.s32 $0xFFFE7900  }
0x20: {  	[tilespmem:s16], [sflag:$0x3] =	stream.strided.gather [hbm4b:s5+s11], $0x1900, s12, s11, $0x38;
	[tilespmem:$0x1D270] =	vst v63  }
0x21: {  	_ =	swait.ge [sflag:s17], $0x1900  }
0x22: {  	[sflag:s17] =	ssyncset.done $0x0  }
0x23: {  	s31 =	simm.s32 $0x19FF0;
	[sflag:s17] =	ssyncadd.s32 $0xFFFFE700  }
0x24: {  	v0 =	vld [tilespmem:s31+$0x0]  }
0x25: {  	v1 =	vld [tilespmem:s31+$0x10]  }
0x26: {  	v2 =	vld [tilespmem:s31+$0x20]  }
0x27: {  	v3 =	vld [tilespmem:s31+$0x30]  }
0x28: {  	v4 =	vld [tilespmem:s31+$0x40]  }
0x29: {  	v5 =	vld [tilespmem:s31+$0x50]  }
0x2a: {  	v6 =	vld [tilespmem:s31+$0x60]  }
0x2b: {  	v7 =	vld [tilespmem:s31+$0xFFFFFF80]  }
0x2c: {  	v8 =	vld [tilespmem:s31+$0xFFFFFF90]  }
0x2d: {  	v9 =	vld [tilespmem:s31+$0xFFFFFFA0]  }
0x2e: {  	v10 =	vld [tilespmem:s31+$0xFFFFFFB0]  }
0x2f: {  	v11 =	vld.idx.msk [tilespmem:v0+s2+$0x0], $0xffff  }
0x30: {  	v1 =	vld.idx.msk [tilespmem:v1+s2+$0x0], $0xffff  }
0x31: {  	v2 =	vld.idx.msk [tilespmem:v2+s2+$0x0], $0xffff  }
0x32: {  	v3 =	vld.idx.msk [tilespmem:v3+s2+$0x0], $0xffff  }
0x33: {  	v4 =	vld.idx.msk [tilespmem:v4+s2+$0x0], $0xffff  }
0x34: {  	v5 =	vld.idx.msk [tilespmem:v5+s2+$0x0], $0xffff  }
0x35: {  	v6 =	vld.idx.msk [tilespmem:v6+s2+$0x0], $0xffff  }
0x36: {  	v7 =	vld.idx.msk [tilespmem:v7+s2+$0x0], $0xffff  }
0x37: {  	v30 =	vld.idx.msk [tilespmem:v8+s2+$0x0], $0xffff  }
0x38: {  	v18 =	vimm.f32 $0.0e+00;
	v12 =	vimm.f32 $0.0e+00;
	v15 =	vimm.f32 $0.0e+00;
	v8 =	vld [tilespmem:s31+$0xFFFFFFC0]  }
0x39: {  	v13 =	vimm.f32 $0.0e+00;
	v14 =	vimm.f32 $0.0e+00;
	v0 =	vimm.f32 $0.0e+00;
	v32 =	vld.idx.msk [tilespmem:v9+s2+$0x0], $0xffff  }
0x3a: {  	v9 =	vimm.f32 $0.0e+00;
	v33 =	vld.idx.msk [tilespmem:v10+s2+$0x0], $0xffff;
	v10 =	vimm.f32 $0.0e+00;
	v29 =	vshll.u32 v11, $0x10  }
0x3b: {  	v28 =	vand.u32 $0xFFFF0000, v11;
	v27 =	vshll.u32 v1, $0x10;
	v11 =	vand.u32 $0xFFFF0000, v1  }
0x3c: {  	v31 =	vld [tilespmem:s31+$0xFFFFFFD0];
	v23 =	vshll.u32 v2, $0x10;
	v26 =	vand.u32 $0xFFFF0000, v2;
	v24 =	vshll.u32 v3, $0x10  }
0x3d: {  	v25 =	vand.u32 $0xFFFF0000, v3;
	v22 =	vshll.u32 v4, $0x10;
	v21 =	vand.u32 $0xFFFF0000, v4  }
0x3e: {  	v35 =	vld [tilespmem:s31+$0xFFFFFFE0];
	v19 =	vshll.u32 v5, $0x10;
	v20 =	vand.u32 $0xFFFF0000, v5;
	v17 =	vshll.u32 v6, $0x10  }
0x3f: {  	v16 =	vand.u32 $0xFFFF0000, v6;
	v40 =	vshll.u32 v7, $0x10;
	v39 =	vand.u32 $0xFFFF0000, v7  }
0x40: {  	v36 =	vld [tilespmem:s31+$0xFFFFFFF0];
	v38 =	vshll.u32 v30, $0x10;
	v3 =	vimm.f32 $0.0e+00;
	v2 =	vimm.f32 $0.0e+00  }
0x41: {  	v37 =	vld [tilespmem:s31+$0x70];
	v1 =	vimm.f32 $0.0e+00;
	v4 =	vimm.f32 $0.0e+00;
	v5 =	vimm.f32 $0.0e+00  }
0x42: {  	s24 =	simm.s32 $0x1A0F0;
	s23 =	simm.s32 $0x0;
	v7 =	vimm.f32 $0.0e+00;
	v6 =	vimm.f32 $0.0e+00;
	v34 =	vld.idx.msk [tilespmem:v8+s2+$0x0], $0xffff;
	v8 =	vimm.f32 $0.0e+00  }
.LBB2_2:
0x43: {  	v41 =	vld [tilespmem:s24+$0x0];
	v0 =	vadd.f32 v40, v0;
	v3 =	vadd.f32 v39, v3;
	v30 =	vand.u32 $0xFFFF0000, v30  }
0x44: {  	v9 =	vadd.f32 v38, v9;
	v2 =	vadd.f32 v30, v2;
	v30 =	vshll.u32 v32, $0x10;
	v31 =	vld.idx.msk [tilespmem:v31+s2+$0x0], $0xffff  }
0x45: {  	v32 =	vand.u32 $0xFFFF0000, v32;
	v38 =	vld [tilespmem:s24+$0x10];
	v0 =	vadd.f32 v29, v0;
	v3 =	vadd.f32 v28, v3  }
0x46: {  	v28 =	vshll.u32 v33, $0x10;
	v9 =	vadd.f32 v27, v9;
	v29 =	vld.idx.msk [tilespmem:v35+s2+$0x0], $0xffff;
	v2 =	vadd.f32 v11, v2  }
0x47: {  	v18 =	vadd.f32 v30, v18;
	v12 =	vadd.f32 v32, v12;
	v27 =	vand.u32 $0xFFFF0000, v33;
	v11 =	vld [tilespmem:s24+$0x20]  }
0x48: {  	v1 =	vadd.f32 v28, v1;
	v4 =	vadd.f32 v27, v4;
	v27 =	vshll.u32 v34, $0x10;
	v28 =	vld.idx.msk [tilespmem:v36+s2+$0x0], $0xffff  }
0x49: {  	v32 =	vand.u32 $0xFFFF0000, v34;
	v18 =	vadd.f32 v23, v18;
	v12 =	vadd.f32 v26, v12;
	v30 =	vld [tilespmem:s24+$0x30]  }
0x4a: {  	v1 =	vadd.f32 v24, v1;
	v4 =	vadd.f32 v25, v4;
	v23 =	vshll.u32 v31, $0x10;
	v24 =	vld.idx.msk [tilespmem:v37+s2+$0x0], $0xffff  }
0x4b: {  	v15 =	vadd.f32 v27, v15;
	v13 =	vadd.f32 v32, v13;
	v26 =	vand.u32 $0xFFFF0000, v31;
	v25 =	vld [tilespmem:s24+$0x40]  }
0x4c: {  	v14 =	vadd.f32 v23, v14;
	v10 =	vadd.f32 v26, v10;
	v23 =	vshll.u32 v29, $0x10;
	v27 =	vld [tilespmem:s24+$0x50]  }
0x4d: {  	v15 =	vadd.f32 v22, v15;
	v13 =	vadd.f32 v21, v13;
	v29 =	vand.u32 $0xFFFF0000, v29;
	v26 =	vld [tilespmem:s24+$0x60]  }
0x4e: {  	v14 =	vadd.f32 v19, v14;
	v10 =	vadd.f32 v20, v10;
	v22 =	vshll.u32 v28, $0x10;
	v21 =	vld [tilespmem:s24+$0xFFFFFF80]  }
0x4f: {  	v5 =	vadd.f32 v23, v5;
	v8 =	vadd.f32 v29, v8;
	v20 =	vand.u32 $0xFFFF0000, v28;
	v19 =	vld [tilespmem:s24+$0xFFFFFF90]  }
0x50: {  	v7 =	vadd.f32 v22, v7;
	v6 =	vadd.f32 v20, v6;
	v20 =	vshll.u32 v24, $0x10;
	v23 =	vld [tilespmem:s24+$0xFFFFFFA0]  }
0x51: {  	v5 =	vadd.f32 v17, v5;
	v8 =	vadd.f32 v16, v8;
	v16 =	vand.u32 $0xFFFF0000, v24;
	v22 =	vld [tilespmem:s24+$0xFFFFFFB0]  }
0x52: {  	v7 =	vadd.f32 v20, v7;
	v6 =	vadd.f32 v16, v6;
	v34 =	vld [tilespmem:s24+$0xFFFFFFC0]  }
0x53: {  	v31 =	vld [tilespmem:s24+$0xFFFFFFD0]  }
0x54: {  	v16 =	vld.idx.msk [tilespmem:v41+s2+$0x0], $0xffff  }
0x55: {  	v17 =	vld.idx.msk [tilespmem:v38+s2+$0x0], $0xffff  }
0x56: {  	v20 =	vld.idx.msk [tilespmem:v11+s2+$0x0], $0xffff  }
0x57: {  	v33 =	vld.idx.msk [tilespmem:v30+s2+$0x0], $0xffff  }
0x58: {  	v37 =	vld.idx.msk [tilespmem:v25+s2+$0x0], $0xffff  }
0x59: {  	v38 =	vld.idx.msk [tilespmem:v27+s2+$0x0], $0xffff  }
0x5a: {  	v39 =	vld.idx.msk [tilespmem:v26+s2+$0x0], $0xffff  }
0x5b: {  	v41 =	vld.idx.msk [tilespmem:v21+s2+$0x0], $0xffff  }
0x5c: {  	s23 =	sadd.s32 $0x2, s23;
	v30 =	vld.idx.msk [tilespmem:v19+s2+$0x0], $0xffff  }
0x5d: {  	p1 =	slt.u32 s23, $0x30;
	v29 =	vshll.u32 v16, $0x10;
	v28 =	vand.u32 $0xFFFF0000, v16;
	v35 =	vld [tilespmem:s24+$0xFFFFFFE0]  }
.Ltmp0:
0x5e: {  	v27 =	vshll.u32 v17, $0x10;
	v11 =	vand.u32 $0xFFFF0000, v17;
	v32 =	vld.idx.msk [tilespmem:v23+s2+$0x0], $0xffff;
	v23 =	vshll.u32 v20, $0x10;
	(pc) =	sbr.rel @p1 .LBB2_2-.Ltmp0, $4  }
0x5f: {  	v26 =	vand.u32 $0xFFFF0000, v20;
	v24 =	vshll.u32 v33, $0x10;
	v25 =	vand.u32 $0xFFFF0000, v33;
	v36 =	vld [tilespmem:s24+$0xFFFFFFF0]  }
0x60: {  	v21 =	vand.u32 $0xFFFF0000, v37;
	v19 =	vshll.u32 v38, $0x10;
	v33 =	vld.idx.msk [tilespmem:v22+s2+$0x0], $0xffff;
	v22 =	vshll.u32 v37, $0x10  }
0x61: {  	v20 =	vand.u32 $0xFFFF0000, v38;
	v17 =	vshll.u32 v39, $0x10;
	v16 =	vand.u32 $0xFFFF0000, v39;
	v37 =	vld [tilespmem:s24+$0x70]  }
0x62: {  	v40 =	vshll.u32 v41, $0x10;
	v39 =	vand.u32 $0xFFFF0000, v41;
	v38 =	vshll.u32 v30, $0x10;
	s24 =	sadd.s32 $0x100, s24;
	v34 =	vld.idx.msk [tilespmem:v34+s2+$0x0], $0xffff  }
0x63: {  	_ =	sdelay $0x3  }
0x64: {  	v31 =	vld.idx.msk [tilespmem:v31+s2+$0x0], $0xffff  }
0x65: {  	v35 =	vld.idx.msk [tilespmem:v35+s2+$0x0], $0xffff  }
0x66: {  	v36 =	vld.idx.msk [tilespmem:v36+s2+$0x0], $0xffff  }
0x67: {  	v37 =	vld.idx.msk [tilespmem:v37+s2+$0x0], $0xffff;
	[tilespmem:s13], [sflag:$0x2] =	stream.strided.gather [hbm4b:s6+s11], $0x1900, s12, s11, $0x38  }
0x68: {  	_ =	swait.ge [sflag:s18], $0x1900  }
0x69: {  	[sflag:s18] =	ssyncset.done $0x0  }
0x6a: {  	s23 =	simm.s32 $0x1B8F0;
	[sflag:s18] =	ssyncadd.s32 $0xFFFFE700  }
0x6b: {  	v41 =	vld [tilespmem:s23+$0x0]  }
0x6c: {  	v42 =	vld [tilespmem:s23+$0x10]  }
0x6d: {  	v43 =	vld [tilespmem:s23+$0x20]  }
0x6e: {  	v0 =	vadd.f32 v40, v0;
	v3 =	vadd.f32 v39, v3;
	v30 =	vand.u32 $0xFFFF0000, v30;
	v44 =	vld [tilespmem:s23+$0x30]  }
0x6f: {  	v9 =	vadd.f32 v38, v9;
	v30 =	vadd.f32 v30, v2;
	v45 =	vld [tilespmem:s23+$0x40]  }
0x70: {  	v2 =	vadd.f32 v29, v0;
	v3 =	vadd.f32 v28, v3;
	v56 =	vld [tilespmem:s23+$0x50]  }
0x71: {  	v0 =	vshll.u32 v32, $0x10;
	v9 =	vadd.f32 v27, v9;
	v28 =	vand.u32 $0xFFFF0000, v32;
	v57 =	vld [tilespmem:s23+$0x60]  }
0x72: {  	v11 =	vadd.f32 v11, v30;
	v0 =	vadd.f32 v0, v18;
	v30 =	vshll.u32 v33, $0x10;
	v29 =	vld [tilespmem:s23+$0xFFFFFF80]  }
0x73: {  	v28 =	vadd.f32 v28, v12;
	v12 =	vand.u32 $0xFFFF0000, v33;
	v1 =	vadd.f32 v30, v1;
	v27 =	vld [tilespmem:s23+$0xFFFFFF90]  }
0x74: {  	v30 =	vadd.f32 v12, v4;
	v12 =	vadd.f32 v23, v0;
	v18 =	vld [tilespmem:s23+$0xFFFFFFA0]  }
0x75: {  	v4 =	vadd.f32 v26, v28;
	v0 =	vadd.f32 v24, v1;
	v24 =	vshll.u32 v34, $0x10;
	v58 =	vld [tilespmem:s23+$0xFFFFFFB0]  }
0x76: {  	v26 =	vand.u32 $0xFFFF0000, v34;
	v1 =	vadd.f32 v25, v30;
	v59 =	vld [tilespmem:s23+$0xFFFFFFC0];
	v15 =	vadd.f32 v24, v15  }
0x77: {  	v26 =	vadd.f32 v26, v13;
	v13 =	vand.u32 $0xFFFF0000, v31;
	v30 =	vshll.u32 v35, $0x10;
	v23 =	vld [tilespmem:s23+$0xFFFFFFD0]  }
0x78: {  	v28 =	vadd.f32 v13, v10;
	v13 =	vadd.f32 v22, v15;
	v22 =	vand.u32 $0xFFFF0000, v35;
	v35 =	vld [tilespmem:s23+$0xFFFFFFE0]  }
0x79: {  	v25 =	vld.idx.msk [tilespmem:v41+s2+$0x0], $0xffff  }
0x7a: {  	v24 =	vshll.u32 v31, $0x10;
	v60 =	vld.idx.msk [tilespmem:v42+s2+$0x0], $0xffff  }
0x7b: {  	v24 =	vadd.f32 v24, v14;
	v61 =	vld.idx.msk [tilespmem:v43+s2+$0x0], $0xffff  }
0x7c: {  	v5 =	vadd.f32 v30, v5;
	v14 =	vadd.f32 v21, v26;
	v62 =	vld.idx.msk [tilespmem:v44+s2+$0x0], $0xffff  }
0x7d: {  	v21 =	vshll.u32 v36, $0x10;
	v15 =	vadd.f32 v20, v28;
	v10 =	vadd.f32 v19, v24;
	v19 =	vld.idx.msk [tilespmem:v45+s2+$0x0], $0xffff  }
0x7e: {  	v20 =	vand.u32 $0xFFFF0000, v36;
	v7 =	vadd.f32 v21, v7;
	v8 =	vadd.f32 v22, v8;
	v40 =	vld.idx.msk [tilespmem:v56+s2+$0x0], $0xffff  }
0x7f: {  	v21 =	vshll.u32 v37, $0x10;
	v5 =	vadd.f32 v17, v5;
	v20 =	vadd.f32 v20, v6;
	v38 =	vld.idx.msk [tilespmem:v57+s2+$0x0], $0xffff  }
0x80: {  	v7 =	vadd.f32 v21, v7;
	v6 =	vadd.f32 v16, v8;
	v8 =	vand.u32 $0xFFFF0000, v37;
	v63 =	vld.idx.msk [tilespmem:v29+s2+$0x0], $0xffff  }
0x81: {  	v8 =	vadd.f32 v8, v20;
	v34 =	vld.idx.msk [tilespmem:v27+s2+$0x0], $0xffff;
	v31 =	vshll.u32 v25, $0x10;
	v29 =	vand.u32 $0xFFFF0000, v25  }
0x82: {  	v36 =	vld [tilespmem:s23+$0xFFFFFFF0];
	v28 =	vshll.u32 v60, $0x10;
	v27 =	vand.u32 $0xFFFF0000, v60;
	v22 =	vshll.u32 v61, $0x10  }
0x83: {  	v30 =	vld.idx.msk [tilespmem:v18+s2+$0x0], $0xffff;
	v26 =	vand.u32 $0xFFFF0000, v61;
	v24 =	vshll.u32 v62, $0x10;
	v25 =	vand.u32 $0xFFFF0000, v62  }
0x84: {  	v37 =	vld [tilespmem:s23+$0x70];
	v21 =	vshll.u32 v19, $0x10;
	v20 =	vand.u32 $0xFFFF0000, v19;
	v19 =	vshll.u32 v40, $0x10  }
0x85: {  	v32 =	vld.idx.msk [tilespmem:v58+s2+$0x0], $0xffff;
	v18 =	vand.u32 $0xFFFF0000, v40;
	v17 =	vshll.u32 v38, $0x10;
	v16 =	vand.u32 $0xFFFF0000, v38  }
0x86: {  	s24 =	simm.s32 $0x1B9F0;
	s23 =	simm.s32 $0x0;
	v33 =	vld.idx.msk [tilespmem:v59+s2+$0x0], $0xffff;
	v40 =	vshll.u32 v63, $0x10;
	v39 =	vand.u32 $0xFFFF0000, v63;
	v38 =	vshll.u32 v34, $0x10  }
.LBB2_4:
0x87: {  	v41 =	vld [tilespmem:s24+$0x0];
	v2 =	vadd.f32 v40, v2;
	v3 =	vadd.f32 v39, v3;
	v34 =	vand.u32 $0xFFFF0000, v34  }
0x88: {  	v9 =	vadd.f32 v38, v9;
	v11 =	vadd.f32 v34, v11;
	v34 =	vshll.u32 v30, $0x10;
	v23 =	vld.idx.msk [tilespmem:v23+s2+$0x0], $0xffff  }
0x89: {  	v30 =	vand.u32 $0xFFFF0000, v30;
	v38 =	vld [tilespmem:s24+$0x10];
	v2 =	vadd.f32 v31, v2;
	v3 =	vadd.f32 v29, v3  }
0x8a: {  	v29 =	vshll.u32 v32, $0x10;
	v9 =	vadd.f32 v28, v9;
	v31 =	vld.idx.msk [tilespmem:v35+s2+$0x0], $0xffff;
	v11 =	vadd.f32 v27, v11  }
0x8b: {  	v12 =	vadd.f32 v34, v12;
	v4 =	vadd.f32 v30, v4;
	v28 =	vand.u32 $0xFFFF0000, v32;
	v27 =	vld [tilespmem:s24+$0x20]  }
0x8c: {  	v0 =	vadd.f32 v29, v0;
	v1 =	vadd.f32 v28, v1;
	v28 =	vshll.u32 v33, $0x10;
	v29 =	vld.idx.msk [tilespmem:v36+s2+$0x0], $0xffff  }
0x8d: {  	v32 =	vand.u32 $0xFFFF0000, v33;
	v12 =	vadd.f32 v22, v12;
	v4 =	vadd.f32 v26, v4;
	v30 =	vld [tilespmem:s24+$0x30]  }
0x8e: {  	v0 =	vadd.f32 v24, v0;
	v1 =	vadd.f32 v25, v1;
	v22 =	vshll.u32 v23, $0x10;
	v24 =	vld.idx.msk [tilespmem:v37+s2+$0x0], $0xffff  }
0x8f: {  	v13 =	vadd.f32 v28, v13;
	v14 =	vadd.f32 v32, v14;
	v23 =	vand.u32 $0xFFFF0000, v23;
	v25 =	vld [tilespmem:s24+$0x40]  }
0x90: {  	v10 =	vadd.f32 v22, v10;
	v15 =	vadd.f32 v23, v15;
	v22 =	vshll.u32 v31, $0x10;
	v26 =	vld [tilespmem:s24+$0x50]  }
0x91: {  	v13 =	vadd.f32 v21, v13;
	v14 =	vadd.f32 v20, v14;
	v23 =	vand.u32 $0xFFFF0000, v31;
	v28 =	vld [tilespmem:s24+$0x60]  }
0x92: {  	v10 =	vadd.f32 v19, v10;
	v15 =	vadd.f32 v18, v15;
	v21 =	vshll.u32 v29, $0x10;
	v20 =	vld [tilespmem:s24+$0xFFFFFF80]  }
0x93: {  	v5 =	vadd.f32 v22, v5;
	v6 =	vadd.f32 v23, v6;
	v19 =	vand.u32 $0xFFFF0000, v29;
	v18 =	vld [tilespmem:s24+$0xFFFFFF90]  }
0x94: {  	v7 =	vadd.f32 v21, v7;
	v8 =	vadd.f32 v19, v8;
	v19 =	vshll.u32 v24, $0x10;
	v22 =	vld [tilespmem:s24+$0xFFFFFFA0]  }
0x95: {  	v5 =	vadd.f32 v17, v5;
	v6 =	vadd.f32 v16, v6;
	v16 =	vand.u32 $0xFFFF0000, v24;
	v21 =	vld [tilespmem:s24+$0xFFFFFFB0]  }
0x96: {  	v7 =	vadd.f32 v19, v7;
	v8 =	vadd.f32 v16, v8;
	v33 =	vld [tilespmem:s24+$0xFFFFFFC0]  }
0x97: {  	v23 =	vld [tilespmem:s24+$0xFFFFFFD0]  }
0x98: {  	v16 =	vld.idx.msk [tilespmem:v41+s2+$0x0], $0xffff  }
0x99: {  	v17 =	vld.idx.msk [tilespmem:v38+s2+$0x0], $0xffff  }
0x9a: {  	v19 =	vld.idx.msk [tilespmem:v27+s2+$0x0], $0xffff  }
0x9b: {  	v32 =	vld.idx.msk [tilespmem:v30+s2+$0x0], $0xffff  }
0x9c: {  	v37 =	vld.idx.msk [tilespmem:v25+s2+$0x0], $0xffff  }
0x9d: {  	v38 =	vld.idx.msk [tilespmem:v26+s2+$0x0], $0xffff  }
0x9e: {  	v39 =	vld.idx.msk [tilespmem:v28+s2+$0x0], $0xffff  }
0x9f: {  	v41 =	vld.idx.msk [tilespmem:v20+s2+$0x0], $0xffff  }
0xa0: {  	s23 =	sadd.s32 $0x2, s23;
	v34 =	vld.idx.msk [tilespmem:v18+s2+$0x0], $0xffff  }
0xa1: {  	p1 =	slt.u32 s23, $0x30;
	v31 =	vshll.u32 v16, $0x10;
	v29 =	vand.u32 $0xFFFF0000, v16;
	v35 =	vld [tilespmem:s24+$0xFFFFFFE0]  }
.Ltmp1:
0xa2: {  	v28 =	vshll.u32 v17, $0x10;
	v27 =	vand.u32 $0xFFFF0000, v17;
	v30 =	vld.idx.msk [tilespmem:v22+s2+$0x0], $0xffff;
	v22 =	vshll.u32 v19, $0x10;
	(pc) =	sbr.rel @p1 .LBB2_4-.Ltmp1, $4  }
0xa3: {  	v26 =	vand.u32 $0xFFFF0000, v19;
	v24 =	vshll.u32 v32, $0x10;
	v25 =	vand.u32 $0xFFFF0000, v32;
	v36 =	vld [tilespmem:s24+$0xFFFFFFF0]  }
0xa4: {  	v20 =	vand.u32 $0xFFFF0000, v37;
	v19 =	vshll.u32 v38, $0x10;
	v32 =	vld.idx.msk [tilespmem:v21+s2+$0x0], $0xffff;
	v21 =	vshll.u32 v37, $0x10  }
0xa5: {  	v18 =	vand.u32 $0xFFFF0000, v38;
	v17 =	vshll.u32 v39, $0x10;
	v16 =	vand.u32 $0xFFFF0000, v39;
	v37 =	vld [tilespmem:s24+$0x70]  }
0xa6: {  	v40 =	vshll.u32 v41, $0x10;
	v39 =	vand.u32 $0xFFFF0000, v41;
	v38 =	vshll.u32 v34, $0x10;
	s24 =	sadd.s32 $0x100, s24;
	v33 =	vld.idx.msk [tilespmem:v33+s2+$0x0], $0xffff  }
0xa7: {  	_ =	sdelay $0x3  }
0xa8: {  	v23 =	vld.idx.msk [tilespmem:v23+s2+$0x0], $0xffff  }
0xa9: {  	v35 =	vld.idx.msk [tilespmem:v35+s2+$0x0], $0xffff  }
0xaa: {  	v36 =	vld.idx.msk [tilespmem:v36+s2+$0x0], $0xffff  }
0xab: {  	v37 =	vld.idx.msk [tilespmem:v37+s2+$0x0], $0xffff;
	[tilespmem:s16], [sflag:$0x3] =	stream.strided.gather [hbm4b:s7+s11], $0x1900, s12, s11, $0x38  }
0xac: {  	_ =	swait.ge [sflag:s17], $0x1900  }
0xad: {  	[sflag:s17] =	ssyncset.done $0x0  }
0xae: {  	s23 =	simm.s32 $0x19FF0;
	[sflag:s17] =	ssyncadd.s32 $0xFFFFE700  }
0xaf: {  	v41 =	vld [tilespmem:s23+$0x0]  }
0xb0: {  	v42 =	vld [tilespmem:s23+$0x10]  }
0xb1: {  	v43 =	vld [tilespmem:s23+$0x20]  }
0xb2: {  	v44 =	vld [tilespmem:s23+$0x30]  }
0xb3: {  	v2 =	vadd.f32 v40, v2;
	v3 =	vadd.f32 v39, v3;
	v34 =	vand.u32 $0xFFFF0000, v34;
	v45 =	vld [tilespmem:s23+$0x40]  }
0xb4: {  	v9 =	vadd.f32 v38, v9;
	v11 =	vadd.f32 v34, v11;
	v58 =	vld [tilespmem:s23+$0x50]  }
0xb5: {  	v2 =	vadd.f32 v31, v2;
	v3 =	vadd.f32 v29, v3;
	v59 =	vld [tilespmem:s23+$0x60]  }
0xb6: {  	v29 =	vshll.u32 v30, $0x10;
	v9 =	vadd.f32 v28, v9;
	v30 =	vand.u32 $0xFFFF0000, v30;
	v31 =	vld [tilespmem:s23+$0xFFFFFF80]  }
0xb7: {  	v11 =	vadd.f32 v27, v11;
	v12 =	vadd.f32 v29, v12;
	v29 =	vand.u32 $0xFFFF0000, v32;
	v28 =	vld [tilespmem:s23+$0xFFFFFF90]  }
0xb8: {  	v27 =	vshll.u32 v32, $0x10;
	v4 =	vadd.f32 v30, v4;
	v1 =	vadd.f32 v29, v1;
	v60 =	vld [tilespmem:s23+$0xFFFFFFA0]  }
0xb9: {  	v0 =	vadd.f32 v27, v0;
	v12 =	vadd.f32 v22, v12;
	v22 =	vshll.u32 v33, $0x10;
	v61 =	vld [tilespmem:s23+$0xFFFFFFB0]  }
0xba: {  	v1 =	vadd.f32 v25, v1;
	v25 =	vand.u32 $0xFFFF0000, v33;
	v13 =	vadd.f32 v22, v13;
	v46 =	vld [tilespmem:s23+$0xFFFFFFC0]  }
0xbb: {  	v22 =	vshll.u32 v23, $0x10;
	v23 =	vand.u32 $0xFFFF0000, v23;
	v27 =	vld [tilespmem:s23+$0xFFFFFFD0];
	v14 =	vadd.f32 v25, v14  }
0xbc: {  	v15 =	vadd.f32 v23, v15;
	v23 =	vshll.u32 v35, $0x10;
	v25 =	vand.u32 $0xFFFF0000, v35;
	v35 =	vld [tilespmem:s23+$0xFFFFFFE0]  }
0xbd: {  	v0 =	vadd.f32 v24, v0;
	v24 =	vld.idx.msk [tilespmem:v41+s2+$0x0], $0xffff  }
0xbe: {  	v4 =	vadd.f32 v26, v4;
	v26 =	vld.idx.msk [tilespmem:v42+s2+$0x0], $0xffff  }
0xbf: {  	v10 =	vadd.f32 v22, v10;
	v13 =	vadd.f32 v21, v13;
	v22 =	vld.idx.msk [tilespmem:v43+s2+$0x0], $0xffff  }
0xc0: {  	v5 =	vadd.f32 v23, v5;
	v6 =	vadd.f32 v25, v6;
	v21 =	vld.idx.msk [tilespmem:v44+s2+$0x0], $0xffff  }
0xc1: {  	v14 =	vadd.f32 v20, v14;
	v10 =	vadd.f32 v19, v10;
	v19 =	vshll.u32 v36, $0x10;
	v62 =	vld.idx.msk [tilespmem:v45+s2+$0x0], $0xffff  }
0xc2: {  	v15 =	vadd.f32 v18, v15;
	v18 =	vand.u32 $0xFFFF0000, v36;
	v7 =	vadd.f32 v19, v7;
	v23 =	vld.idx.msk [tilespmem:v58+s2+$0x0], $0xffff  }
0xc3: {  	v8 =	vadd.f32 v18, v8;
	v18 =	vshll.u32 v37, $0x10;
	v5 =	vadd.f32 v17, v5;
	v38 =	vld.idx.msk [tilespmem:v59+s2+$0x0], $0xffff  }
0xc4: {  	v6 =	vadd.f32 v16, v6;
	v16 =	vand.u32 $0xFFFF0000, v37;
	v7 =	vadd.f32 v18, v7;
	v63 =	vld.idx.msk [tilespmem:v31+s2+$0x0], $0xffff  }
0xc5: {  	v8 =	vadd.f32 v16, v8;
	v34 =	vld.idx.msk [tilespmem:v28+s2+$0x0], $0xffff;
	v31 =	vshll.u32 v24, $0x10;
	v29 =	vand.u32 $0xFFFF0000, v24  }
0xc6: {  	v36 =	vld [tilespmem:s23+$0xFFFFFFF0];
	v16 =	vshll.u32 v26, $0x10;
	v17 =	vand.u32 $0xFFFF0000, v26;
	v18 =	vshll.u32 v22, $0x10  }
0xc7: {  	v30 =	vld.idx.msk [tilespmem:v60+s2+$0x0], $0xffff;
	v28 =	vand.u32 $0xFFFF0000, v22;
	v19 =	vshll.u32 v21, $0x10;
	v20 =	vand.u32 $0xFFFF0000, v21  }
0xc8: {  	v37 =	vld [tilespmem:s23+$0x70];
	v26 =	vshll.u32 v62, $0x10;
	v25 =	vand.u32 $0xFFFF0000, v62;
	v24 =	vshll.u32 v23, $0x10  }
0xc9: {  	v32 =	vld.idx.msk [tilespmem:v61+s2+$0x0], $0xffff;
	v23 =	vand.u32 $0xFFFF0000, v23;
	v22 =	vshll.u32 v38, $0x10;
	v21 =	vand.u32 $0xFFFF0000, v38  }
0xca: {  	s24 =	simm.s32 $0x1A0F0;
	s23 =	simm.s32 $0x0;
	v33 =	vld.idx.msk [tilespmem:v46+s2+$0x0], $0xffff;
	v40 =	vshll.u32 v63, $0x10;
	v39 =	vand.u32 $0xFFFF0000, v63;
	v38 =	vshll.u32 v34, $0x10  }
.LBB2_6:
0xcb: {  	v41 =	vld [tilespmem:s24+$0x0];
	v2 =	vadd.f32 v40, v2;
	v3 =	vadd.f32 v39, v3;
	v34 =	vand.u32 $0xFFFF0000, v34  }
0xcc: {  	v9 =	vadd.f32 v38, v9;
	v11 =	vadd.f32 v34, v11;
	v34 =	vshll.u32 v30, $0x10;
	v27 =	vld.idx.msk [tilespmem:v27+s2+$0x0], $0xffff  }
0xcd: {  	v30 =	vand.u32 $0xFFFF0000, v30;
	v38 =	vld [tilespmem:s24+$0x10];
	v2 =	vadd.f32 v31, v2;
	v3 =	vadd.f32 v29, v3  }
0xce: {  	v29 =	vshll.u32 v32, $0x10;
	v9 =	vadd.f32 v16, v9;
	v31 =	vld.idx.msk [tilespmem:v35+s2+$0x0], $0xffff;
	v11 =	vadd.f32 v17, v11  }
0xcf: {  	v12 =	vadd.f32 v34, v12;
	v4 =	vadd.f32 v30, v4;
	v17 =	vand.u32 $0xFFFF0000, v32;
	v16 =	vld [tilespmem:s24+$0x20]  }
0xd0: {  	v0 =	vadd.f32 v29, v0;
	v1 =	vadd.f32 v17, v1;
	v17 =	vshll.u32 v33, $0x10;
	v29 =	vld.idx.msk [tilespmem:v36+s2+$0x0], $0xffff  }
0xd1: {  	v32 =	vand.u32 $0xFFFF0000, v33;
	v12 =	vadd.f32 v18, v12;
	v4 =	vadd.f32 v28, v4;
	v30 =	vld [tilespmem:s24+$0x30]  }
0xd2: {  	v0 =	vadd.f32 v19, v0;
	v18 =	vshll.u32 v27, $0x10;
	v1 =	vadd.f32 v20, v1;
	v19 =	vld.idx.msk [tilespmem:v37+s2+$0x0], $0xffff  }
0xd3: {  	v13 =	vadd.f32 v17, v13;
	v14 =	vadd.f32 v32, v14;
	v17 =	vand.u32 $0xFFFF0000, v27;
	v20 =	vld [tilespmem:s24+$0x40]  }
0xd4: {  	v10 =	vadd.f32 v18, v10;
	v15 =	vadd.f32 v17, v15;
	v17 =	vshll.u32 v31, $0x10;
	v28 =	vld [tilespmem:s24+$0x50]  }
0xd5: {  	v13 =	vadd.f32 v26, v13;
	v14 =	vadd.f32 v25, v14;
	v27 =	vand.u32 $0xFFFF0000, v31;
	v18 =	vld [tilespmem:s24+$0x60]  }
0xd6: {  	v10 =	vadd.f32 v24, v10;
	v15 =	vadd.f32 v23, v15;
	v26 =	vshll.u32 v29, $0x10;
	v25 =	vld [tilespmem:s24+$0xFFFFFF80]  }
0xd7: {  	v5 =	vadd.f32 v17, v5;
	v6 =	vadd.f32 v27, v6;
	v17 =	vand.u32 $0xFFFF0000, v29;
	v23 =	vld [tilespmem:s24+$0xFFFFFF90]  }
0xd8: {  	v7 =	vadd.f32 v26, v7;
	v8 =	vadd.f32 v17, v8;
	v17 =	vshll.u32 v19, $0x10;
	v24 =	vld [tilespmem:s24+$0xFFFFFFA0]  }
0xd9: {  	v5 =	vadd.f32 v22, v5;
	v6 =	vadd.f32 v21, v6;
	v19 =	vand.u32 $0xFFFF0000, v19;
	v26 =	vld [tilespmem:s24+$0xFFFFFFB0]  }
0xda: {  	v7 =	vadd.f32 v17, v7;
	v8 =	vadd.f32 v19, v8;
	v33 =	vld [tilespmem:s24+$0xFFFFFFC0]  }
0xdb: {  	v27 =	vld [tilespmem:s24+$0xFFFFFFD0]  }
0xdc: {  	v17 =	vld.idx.msk [tilespmem:v41+s2+$0x0], $0xffff  }
0xdd: {  	v19 =	vld.idx.msk [tilespmem:v38+s2+$0x0], $0xffff  }
0xde: {  	v21 =	vld.idx.msk [tilespmem:v16+s2+$0x0], $0xffff  }
0xdf: {  	v22 =	vld.idx.msk [tilespmem:v30+s2+$0x0], $0xffff  }
0xe0: {  	v37 =	vld.idx.msk [tilespmem:v20+s2+$0x0], $0xffff  }
0xe1: {  	v38 =	vld.idx.msk [tilespmem:v28+s2+$0x0], $0xffff  }
0xe2: {  	v39 =	vld.idx.msk [tilespmem:v18+s2+$0x0], $0xffff  }
0xe3: {  	v41 =	vld.idx.msk [tilespmem:v25+s2+$0x0], $0xffff  }
0xe4: {  	s23 =	sadd.s32 $0x2, s23;
	v34 =	vld.idx.msk [tilespmem:v23+s2+$0x0], $0xffff  }
0xe5: {  	p1 =	slt.u32 s23, $0x30;
	v31 =	vshll.u32 v17, $0x10;
	v29 =	vand.u32 $0xFFFF0000, v17;
	v35 =	vld [tilespmem:s24+$0xFFFFFFE0]  }
.Ltmp2:
0xe6: {  	v16 =	vshll.u32 v19, $0x10;
	v17 =	vand.u32 $0xFFFF0000, v19;
	v18 =	vshll.u32 v21, $0x10;
	v30 =	vld.idx.msk [tilespmem:v24+s2+$0x0], $0xffff;
	(pc) =	sbr.rel @p1 .LBB2_6-.Ltmp2, $4  }
0xe7: {  	v28 =	vand.u32 $0xFFFF0000, v21;
	v19 =	vshll.u32 v22, $0x10;
	v20 =	vand.u32 $0xFFFF0000, v22;
	v36 =	vld [tilespmem:s24+$0xFFFFFFF0]  }
0xe8: {  	v25 =	vand.u32 $0xFFFF0000, v37;
	v24 =	vshll.u32 v38, $0x10;
	v32 =	vld.idx.msk [tilespmem:v26+s2+$0x0], $0xffff;
	v26 =	vshll.u32 v37, $0x10  }
0xe9: {  	v23 =	vand.u32 $0xFFFF0000, v38;
	v22 =	vshll.u32 v39, $0x10;
	v21 =	vand.u32 $0xFFFF0000, v39;
	v37 =	vld [tilespmem:s24+$0x70]  }
0xea: {  	v40 =	vshll.u32 v41, $0x10;
	v39 =	vand.u32 $0xFFFF0000, v41;
	v38 =	vshll.u32 v34, $0x10;
	s24 =	sadd.s32 $0x100, s24;
	v33 =	vld.idx.msk [tilespmem:v33+s2+$0x0], $0xffff  }
0xeb: {  	_ =	sdelay $0x3  }
0xec: {  	v41 =	vld.idx.msk [tilespmem:v27+s2+$0x0], $0xffff  }
0xed: {  	v35 =	vld.idx.msk [tilespmem:v35+s2+$0x0], $0xffff  }
0xee: {  	v36 =	vld.idx.msk [tilespmem:v36+s2+$0x0], $0xffff  }
0xef: {  	v37 =	vld.idx.msk [tilespmem:v37+s2+$0x0], $0xffff;
	_ =	swait.ge [sflag:s18], $0x1900  }
0xf0: {  	[sflag:s18] =	ssyncset.done $0x0  }
0xf1: {  	s23 =	simm.s32 $0x1B8F0;
	[sflag:s18] =	ssyncadd.s32 $0xFFFFE700  }
0xf2: {  	v42 =	vld [tilespmem:s23+$0x0]  }
0xf3: {  	v43 =	vld [tilespmem:s23+$0x10]  }
0xf4: {  	v44 =	vld [tilespmem:s23+$0x20]  }
0xf5: {  	v45 =	vld [tilespmem:s23+$0x30]  }
0xf6: {  	v2 =	vadd.f32 v40, v2;
	v46 =	vld [tilespmem:s23+$0x40]  }
0xf7: {  	v3 =	vadd.f32 v39, v3;
	v27 =	vand.u32 $0xFFFF0000, v34;
	v55 =	vld [tilespmem:s23+$0x50]  }
0xf8: {  	v56 =	vadd.f32 v38, v9;
	v9 =	vadd.f32 v31, v2;
	v2 =	vshll.u32 v30, $0x10;
	v57 =	vld [tilespmem:s23+$0x60]  }
0xf9: {  	v27 =	vadd.f32 v27, v11;
	v2 =	vadd.f32 v2, v12;
	v12 =	vshll.u32 v32, $0x10;
	v31 =	vld [tilespmem:s23+$0xFFFFFF80]  }
0xfa: {  	v11 =	vadd.f32 v29, v3;
	v0 =	vadd.f32 v12, v0;
	v29 =	vld [tilespmem:s23+$0xFFFFFF90]  }
0xfb: {  	v3 =	vand.u32 $0xFFFF0000, v30;
	v30 =	vld [tilespmem:s23+$0xFFFFFFA0]  }
0xfc: {  	v16 =	vadd.f32 v16, v56;
	v58 =	vld [tilespmem:s23+$0xFFFFFFB0];
	v19 =	vadd.f32 v19, v0;
	v0 =	vshll.u32 v33, $0x10  }
0xfd: {  	v3 =	vadd.f32 v3, v4;
	v4 =	vand.u32 $0xFFFF0000, v32;
	v47 =	vld [tilespmem:s23+$0xFFFFFFC0];
	v0 =	vadd.f32 v0, v13  }
0xfe: {  	v17 =	vadd.f32 v17, v27;
	v1 =	vadd.f32 v4, v1;
	v27 =	vld [tilespmem:s23+$0xFFFFFFD0]  }
0xff: {  	v12 =	vadd.f32 v18, v2;
	v2 =	vshll.u32 v41, $0x10;
	v13 =	vadd.f32 v26, v0;
	v26 =	vld [tilespmem:s23+$0xFFFFFFE0]  }
0x100: {  	v18 =	vadd.f32 v28, v3;
	v3 =	vand.u32 $0xFFFF0000, v41;
	v2 =	vadd.f32 v2, v10;
	v28 =	vld.idx.msk [tilespmem:v42+s2+$0x0], $0xffff  }
0x101: {  	v20 =	vadd.f32 v20, v1;
	v1 =	vand.u32 $0xFFFF0000, v33;
	v3 =	vadd.f32 v3, v15;
	v59 =	vld.idx.msk [tilespmem:v43+s2+$0x0], $0xffff  }
0x102: {  	v15 =	vshll.u32 v35, $0x10;
	v1 =	vadd.f32 v1, v14;
	v4 =	vadd.f32 v24, v2;
	v60 =	vld.idx.msk [tilespmem:v44+s2+$0x0], $0xffff  }
0x103: {  	v10 =	vadd.f32 v23, v3;
	v2 =	vadd.f32 v15, v5;
	v61 =	vld.idx.msk [tilespmem:v45+s2+$0x0], $0xffff  }
0x104: {  	v0 =	vand.u32 $0xFFFF0000, v35;
	v14 =	vadd.f32 v25, v1;
	v1 =	vshll.u32 v36, $0x10;
	v62 =	vld.idx.msk [tilespmem:v46+s2+$0x0], $0xffff  }
0x105: {  	v3 =	vand.u32 $0xFFFF0000, v36;
	v0 =	vadd.f32 v0, v6;
	v1 =	vadd.f32 v1, v7;
	v5 =	vld.idx.msk [tilespmem:v55+s2+$0x0], $0xffff  }
0x106: {  	v6 =	vadd.f32 v3, v8;
	v7 =	vshll.u32 v37, $0x10;
	v2 =	vadd.f32 v22, v2;
	v38 =	vld.idx.msk [tilespmem:v57+s2+$0x0], $0xffff  }
0x107: {  	v3 =	vadd.f32 v21, v0;
	v0 =	vand.u32 $0xFFFF0000, v37;
	v1 =	vadd.f32 v7, v1;
	v63 =	vld.idx.msk [tilespmem:v31+s2+$0x0], $0xffff  }
0x108: {  	v0 =	vadd.f32 v0, v6;
	v36 =	vld.idx.msk [tilespmem:v29+s2+$0x0], $0xffff;
	v32 =	vshll.u32 v28, $0x10;
	v33 =	vand.u32 $0xFFFF0000, v28  }
0x109: {  	v35 =	vld.idx.msk [tilespmem:v30+s2+$0x0], $0xffff;
	v30 =	vshll.u32 v59, $0x10;
	v31 =	vand.u32 $0xFFFF0000, v59;
	v24 =	vshll.u32 v60, $0x10  }
0x10a: {  	v34 =	vld.idx.msk [tilespmem:v58+s2+$0x0], $0xffff;
	v25 =	vand.u32 $0xFFFF0000, v60;
	v22 =	vshll.u32 v61, $0x10;
	v23 =	vand.u32 $0xFFFF0000, v61  }
0x10b: {  	v28 =	vld [tilespmem:s23+$0xFFFFFFF0];
	v21 =	vshll.u32 v62, $0x10;
	v15 =	vand.u32 $0xFFFF0000, v62;
	v7 =	vshll.u32 v5, $0x10  }
0x10c: {  	v29 =	vld [tilespmem:s23+$0x70];
	v8 =	vand.u32 $0xFFFF0000, v5;
	v6 =	vshll.u32 v38, $0x10;
	v5 =	vand.u32 $0xFFFF0000, v38  }
0x10d: {  	s24 =	simm.s32 $0x1B9F0;
	v37 =	vld.idx.msk [tilespmem:v47+s2+$0x0], $0xffff;
	s23 =	simm.s32 $0x0;
	v39 =	vshll.u32 v63, $0x10;
	v40 =	vand.u32 $0xFFFF0000, v63;
	v38 =	vshll.u32 v36, $0x10  }
.LBB2_8:
0x10e: {  	v41 =	vld [tilespmem:s24+$0x0];
	v9 =	vadd.f32 v39, v9;
	v11 =	vadd.f32 v40, v11;
	v36 =	vand.u32 $0xFFFF0000, v36  }
0x10f: {  	v16 =	vadd.f32 v38, v16;
	v17 =	vadd.f32 v36, v17;
	v36 =	vshll.u32 v35, $0x10;
	v27 =	vld.idx.msk [tilespmem:v27+s2+$0x0], $0xffff  }
0x110: {  	v35 =	vand.u32 $0xFFFF0000, v35;
	v38 =	vld [tilespmem:s24+$0x10];
	v9 =	vadd.f32 v32, v9;
	v11 =	vadd.f32 v33, v11  }
0x111: {  	v32 =	vshll.u32 v34, $0x10;
	v16 =	vadd.f32 v30, v16;
	v26 =	vld.idx.msk [tilespmem:v26+s2+$0x0], $0xffff;
	v17 =	vadd.f32 v31, v17  }
0x112: {  	v12 =	vadd.f32 v36, v12;
	v18 =	vadd.f32 v35, v18;
	v31 =	vand.u32 $0xFFFF0000, v34;
	v30 =	vld [tilespmem:s24+$0x20]  }
0x113: {  	v19 =	vadd.f32 v32, v19;
	v20 =	vadd.f32 v31, v20;
	v31 =	vshll.u32 v37, $0x10;
	v28 =	vld.idx.msk [tilespmem:v28+s2+$0x0], $0xffff  }
0x114: {  	v33 =	vand.u32 $0xFFFF0000, v37;
	v12 =	vadd.f32 v24, v12;
	v18 =	vadd.f32 v25, v18;
	v32 =	vld [tilespmem:s24+$0x30]  }
0x115: {  	v19 =	vadd.f32 v22, v19;
	v24 =	vshll.u32 v27, $0x10;
	v20 =	vadd.f32 v23, v20;
	v22 =	vld.idx.msk [tilespmem:v29+s2+$0x0], $0xffff  }
0x116: {  	v13 =	vadd.f32 v31, v13;
	v14 =	vadd.f32 v33, v14;
	v25 =	vand.u32 $0xFFFF0000, v27;
	v23 =	vld [tilespmem:s24+$0x40]  }
0x117: {  	v4 =	vadd.f32 v24, v4;
	v10 =	vadd.f32 v25, v10;
	v24 =	vshll.u32 v26, $0x10;
	v29 =	vld [tilespmem:s24+$0x50]  }
0x118: {  	v13 =	vadd.f32 v21, v13;
	v14 =	vadd.f32 v15, v14;
	v26 =	vand.u32 $0xFFFF0000, v26;
	v25 =	vld [tilespmem:s24+$0x60]  }
0x119: {  	v4 =	vadd.f32 v7, v4;
	v10 =	vadd.f32 v8, v10;
	v21 =	vshll.u32 v28, $0x10;
	v15 =	vld [tilespmem:s24+$0xFFFFFF80]  }
0x11a: {  	v2 =	vadd.f32 v24, v2;
	v3 =	vadd.f32 v26, v3;
	v8 =	vand.u32 $0xFFFF0000, v28;
	v7 =	vld [tilespmem:s24+$0xFFFFFF90]  }
0x11b: {  	v1 =	vadd.f32 v21, v1;
	v0 =	vadd.f32 v8, v0;
	v8 =	vshll.u32 v22, $0x10;
	v24 =	vld [tilespmem:s24+$0xFFFFFFA0]  }
0x11c: {  	v2 =	vadd.f32 v6, v2;
	v3 =	vadd.f32 v5, v3;
	v5 =	vand.u32 $0xFFFF0000, v22;
	v21 =	vld [tilespmem:s24+$0xFFFFFFB0]  }
0x11d: {  	v1 =	vadd.f32 v8, v1;
	v0 =	vadd.f32 v5, v0;
	v37 =	vld [tilespmem:s24+$0xFFFFFFC0]  }
0x11e: {  	v27 =	vld [tilespmem:s24+$0xFFFFFFD0]  }
0x11f: {  	v5 =	vld.idx.msk [tilespmem:v41+s2+$0x0], $0xffff  }
0x120: {  	v6 =	vld.idx.msk [tilespmem:v38+s2+$0x0], $0xffff  }
0x121: {  	v8 =	vld.idx.msk [tilespmem:v30+s2+$0x0], $0xffff  }
0x122: {  	v34 =	vld.idx.msk [tilespmem:v32+s2+$0x0], $0xffff  }
0x123: {  	v38 =	vld.idx.msk [tilespmem:v23+s2+$0x0], $0xffff  }
0x124: {  	v29 =	vld.idx.msk [tilespmem:v29+s2+$0x0], $0xffff  }
0x125: {  	v39 =	vld.idx.msk [tilespmem:v25+s2+$0x0], $0xffff  }
0x126: {  	v40 =	vld.idx.msk [tilespmem:v15+s2+$0x0], $0xffff  }
0x127: {  	s23 =	sadd.s32 $0x2, s23;
	v36 =	vld.idx.msk [tilespmem:v7+s2+$0x0], $0xffff  }
0x128: {  	p1 =	slt.u32 s23, $0x30;
	v32 =	vshll.u32 v5, $0x10;
	v33 =	vand.u32 $0xFFFF0000, v5;
	v26 =	vld [tilespmem:s24+$0xFFFFFFE0]  }
.Ltmp3:
0x129: {  	v30 =	vshll.u32 v6, $0x10;
	v31 =	vand.u32 $0xFFFF0000, v6;
	v35 =	vld.idx.msk [tilespmem:v24+s2+$0x0], $0xffff;
	v24 =	vshll.u32 v8, $0x10;
	(pc) =	sbr.rel @p1 .LBB2_8-.Ltmp3, $4  }
0x12a: {  	v25 =	vand.u32 $0xFFFF0000, v8;
	v22 =	vshll.u32 v34, $0x10;
	v23 =	vand.u32 $0xFFFF0000, v34;
	v28 =	vld [tilespmem:s24+$0xFFFFFFF0]  }
0x12b: {  	v15 =	vand.u32 $0xFFFF0000, v38;
	v7 =	vshll.u32 v29, $0x10;
	v34 =	vld.idx.msk [tilespmem:v21+s2+$0x0], $0xffff;
	v21 =	vshll.u32 v38, $0x10  }
0x12c: {  	v8 =	vand.u32 $0xFFFF0000, v29;
	v6 =	vshll.u32 v39, $0x10;
	v5 =	vand.u32 $0xFFFF0000, v39;
	v29 =	vld [tilespmem:s24+$0x70]  }
0x12d: {  	v39 =	vshll.u32 v40, $0x10;
	v40 =	vand.u32 $0xFFFF0000, v40;
	v38 =	vshll.u32 v36, $0x10;
	s24 =	sadd.s32 $0x100, s24;
	v37 =	vld.idx.msk [tilespmem:v37+s2+$0x0], $0xffff  }
0x12e: {  	v9 =	vadd.f32 v39, v9  }
0x12f: {  	v11 =	vadd.f32 v40, v11;
	v36 =	vand.u32 $0xFFFF0000, v36;
	v16 =	vadd.f32 v38, v16  }
0x130: {  	v63 =	vshll.u32 v35, $0x10;
	v39 =	vand.u32 $0xFFFF0000, v35;
	v17 =	vadd.f32 v36, v17  }
0x131: {  	v12 =	vadd.f32 v63, v12;
	v18 =	vadd.f32 v39, v18  }
0x132: {  	v9 =	vadd.f32 v32, v9;
	v11 =	vadd.f32 v33, v11;
	v40 =	vshll.u32 v34, $0x10  }
0x133: {  	v27 =	vld.idx.msk [tilespmem:v27+s2+$0x0], $0xffff;
	v16 =	vadd.f32 v30, v16;
	v41 =	vand.u32 $0xFFFF0000, v34;
	v17 =	vadd.f32 v31, v17  }
0x134: {  	v26 =	vld.idx.msk [tilespmem:v26+s2+$0x0], $0xffff;
	v19 =	vadd.f32 v40, v19;
	v20 =	vadd.f32 v41, v20  }
0x135: {  	v12 =	vadd.f32 v24, v12;
	v18 =	vadd.f32 v25, v18;
	v42 =	vshll.u32 v37, $0x10  }
0x136: {  	v44 =	vld.idx.msk [tilespmem:v28+s2+$0x0], $0xffff;
	v43 =	vand.u32 $0xFFFF0000, v37;
	v9 =	vmul.f32 $4.999999890e-03, v9;
	v11 =	vmul.f32 $4.999999890e-03, v11  }
0x137: {  	v47 =	vmul.f32 $4.999999890e-03, v16;
	v19 =	vadd.f32 v22, v19;
	v20 =	vadd.f32 v23, v20  }
0x138: {  	v46 =	vld.idx.msk [tilespmem:v29+s2+$0x0], $0xffff;
	v45 =	vshll.u32 v27, $0x10;
	v13 =	vadd.f32 v42, v13;
	v14 =	vadd.f32 v43, v14;
	[tilespmem:$0x1D170] =	vst v9  }
0x139: {  	v48 =	vand.u32 $0xFFFF0000, v27;
	v49 =	vmul.f32 $4.999999890e-03, v17;
	v50 =	vshll.u32 v26, $0x10;
	[tilespmem:$0x1D1F0] =	vst v11  }
0x13a: {  	v51 =	vmul.f32 $4.999999890e-03, v12;
	v52 =	vand.u32 $0xFFFF0000, v26;
	v53 =	vmul.f32 $4.999999890e-03, v18;
	[tilespmem:$0x1D180] =	vst v47  }
0x13b: {  	v4 =	vadd.f32 v45, v4;
	v10 =	vadd.f32 v48, v10;
	v54 =	vshll.u32 v44, $0x10;
	[tilespmem:$0x1D200] =	vst v49  }
0x13c: {  	v2 =	vadd.f32 v50, v2;
	v13 =	vadd.f32 v21, v13;
	[tilespmem:$0x1D190] =	vst v51;
	v55 =	vmul.f32 $4.999999890e-03, v19  }
0x13d: {  	v3 =	vadd.f32 v52, v3;
	v14 =	vadd.f32 v15, v14;
	[tilespmem:$0x1D210] =	vst v53;
	v57 =	vmul.f32 $4.999999890e-03, v20  }
0x13e: {  	v59 =	vand.u32 $0xFFFF0000, v44;
	v4 =	vadd.f32 v7, v4;
	[tilespmem:$0x1D1A0] =	vst v55;
	v58 =	vmul.f32 $4.999999890e-03, v13  }
0x13f: {  	v1 =	vadd.f32 v54, v1;
	v56 =	vadd.f32 v8, v10;
	[tilespmem:$0x1D220] =	vst v57;
	v60 =	vmul.f32 $4.999999890e-03, v14  }
0x140: {  	v0 =	vadd.f32 v59, v0;
	v2 =	vadd.f32 v6, v2;
	v4 =	vmul.f32 $4.999999890e-03, v4;
	[tilespmem:$0x1D1B0] =	vst v58  }
0x141: {  	v61 =	vshll.u32 v46, $0x10;
	v3 =	vadd.f32 v5, v3;
	v62 =	vmul.f32 $4.999999890e-03, v56;
	[tilespmem:$0x1D230] =	vst v60  }
0x142: {  	v63 =	vand.u32 $0xFFFF0000, v46;
	v1 =	vadd.f32 v61, v1;
	v2 =	vmul.f32 $4.999999890e-03, v2;
	[tilespmem:$0x1D1C0] =	vst v4  }
0x143: {  	v0 =	vadd.f32 v63, v0;
	v3 =	vmul.f32 $4.999999890e-03, v3;
	[tilespmem:$0x1D240] =	vst v62  }
0x144: {  	v1 =	vmul.f32 $4.999999890e-03, v1;
	[tilespmem:$0x1D1D0] =	vst v2  }
0x145: {  	v0 =	vmul.f32 $4.999999890e-03, v0;
	[tilespmem:$0x1D250] =	vst v3  }
0x146: {  	[tilespmem:$0x1D1E0] =	vst v1  }
0x147: {  	[tilespmem:$0x1D260] =	vst v0  }
0x148: {  	[hbm4b:s8+s2] =	stream.linear.scatter [tilespmem:s19], [sflag:$0x4], $0x80, $0x38;
	[tilespmem:$0x1D270] =	vst v63  }
0x149: {  	s22 =	sadd.s32 $0x1, s22;
	_ =	swait.ge [sflag:s20], $0x80  }
0x14a: {  	p1 =	sne.s32 s22, s10;
	[sflag:s20] =	ssyncset.done $0x0  }
.Ltmp4:
0x14b: {  	[sflag:s20] =	ssyncadd.s32 $0xFFFFFF80;
	(pc) =	sbr.rel @p1 .LBB2_1-.Ltmp4, $4  }
0x14c: {  	[hbm4b:s9+s2] =	stream.linear.scatter [tilespmem:s21], [sflag:$0x4], $0x80, $0x38;
	[tilespmem:$0x1D270] =	vst v63  }
0x14d: {  	_ =	swait.ge [sflag:s20], $0x80  }
0x14e: {  	[sflag:s20] =	ssyncset.done $0x0  }
0x14f: {  	[sflag:s20] =	ssyncadd.s32 $0xFFFFFF80  }
0x150: {  	_ =	sfence.sel $0x180000  }
0x151: {  	[bflag:$0x0] =	sbarrier.arrive $0xFFFF  }
0x152: {  	_ =	strace $0x90000047  }
0x153: {  	s0 =	sadd.s32 @!p0 $0x100000, s0;
	[bflag:$0x2] =	sbarrier.arrive $0xFFFF  }
0x154: {  	[sflag:s0] =	ssyncadd.tile.s32 @!p0 $0x1;
	_ =	shalt  }
.Lfunc_end2:
_tile_overlayer_lowered:
.L_overlay_start_2:
0x155: {  	(tag) =	ssettag $0x2  }
0x156: {  	s0 =	rddreg [dreg:$0x0];
	s2 =	stileid.u32  }
0x157: {  	s1 =	rddreg [dreg:$0x1];
	p0 =	sne.s32 s2, $0x0  }
0x158: {  	s3 =	rddreg [dreg:$0x2];
	[bflag:$0x3] =	sbarrier.arrive $0xFFFF;
	s2 =	simm.s32 @!p0 $0x1C04  }
0x159: {  	[timem:s3], [sflag:s2] =	dma.local @!p0 [hbm:s0], s1  }
0x15a: {  	s0 =	simm.s32 @!p0 $0x4  }
0x15b: {  	_ =	swait.ge @!p0 [sflag:s0], s1  }
0x15c: {  	s1 =	ssub.s32 @!p0 $0x0, s1;
	[sflag:s0] =	ssyncset.done @!p0 $0x0  }
0x15d: {  	[sflag:s0] =	ssyncadd.s32 @!p0 s1  }
0x15e: {  	[bflag:$0x3] =	sbarrier.arrive $0xFFFF  }
0x15f: {  	_ =	shalt  }

</sc_bundles>
